<compile_context>
chip_gen: v7x
topology: tpu7x:2x2x1
jax: 0.10.2.dev20260603
libtpu: 0.0.44.dev20260713+nightly
codegen_flags: <defaults>
</compile_context>

<pallas_src>
import functools

import jax
import jax.numpy as jnp
from jax import lax
from jax.experimental import pallas as pl
from jax.experimental.pallas import tpu as pltpu
from jax.experimental.pallas import tpu_sc as plsc

B = 16384
NC = 2
NS = 16
NW = NC * NS
BPW = B // NW
CHUNK = 128
NCHUNK = BPW // CHUNK
UROWS = 256
NBUF = 3
NUNIT = 12


def _sc_gather_body(idx_a, idx_i, idx_s, idx_c, idx_t, idx_p,
                    tbl_a, tbl_i, tbl_s, tbl_c, tbl_t, tbl_p,
                    out_a, out_i, out_s, out_c, out_t, out_p,
                    ib, buf0, buf1, buf2, sem0, sem1, sem2):
    wid = lax.axis_index("s") * NC + lax.axis_index("c")
    base = wid * BPW

    idxs = [idx_a, idx_i, idx_s, idx_c, idx_t, idx_p]
    tbls = [tbl_a, tbl_i, tbl_s, tbl_c, tbl_t, tbl_p]
    outs = [out_a, out_i, out_s, out_c, out_t, out_p]
    bufs = [buf0, buf1, buf2]
    sems = [sem0, sem1, sem2]

    for t in range(6):
        pltpu.sync_copy(idxs[t].at[wid], ib.at[t])

    units = [(t, h) for t in range(6) for h in range(2)]

    def fire(u):
        t, h = units[u]
        cs = []
        for j in range(2):
            c = pltpu.make_async_copy(
                tbls[t].at[ib.at[t].at[2 * h + j]],
                bufs[u % NBUF].at[pl.ds(j * CHUNK, CHUNK)],
                sems[u % NBUF])
            c.start()
            cs.append(c)
        return cs

    def drain(u, cs):
        t, h = units[u]
        for c in cs:
            c.wait()
        pltpu.sync_copy(bufs[u % NBUF],
                        outs[t].at[pl.ds(base + h * UROWS, UROWS)])

    inflight = [fire(0), fire(1), fire(2)]
    for u in range(NBUF, NUNIT):
        drain(u - NBUF, inflight[u - NBUF])
        inflight.append(fire(u))
    for u in range(NUNIT - NBUF, NUNIT):
        drain(u, inflight[u])


@jax.jit
def _sc_gather(idx_a, idx_i, idx_s, idx_c, idx_t, idx_p,
               tbl_a, tbl_i, tbl_s, tbl_c, tbl_t, tbl_p):
    mesh = plsc.VectorSubcoreMesh(core_axis_name="c", subcore_axis_name="s",
                                  num_cores=NC, num_subcores=NS)
    f = pl.kernel(
        _sc_gather_body,
        out_type=[jax.ShapeDtypeStruct((B, 128), jnp.float32)
                  for _ in range(6)],
        mesh=mesh,
        scratch_types=[
            pltpu.VMEM((6, NCHUNK, CHUNK), jnp.int32),
            pltpu.VMEM((UROWS, 128), jnp.float32),
            pltpu.VMEM((UROWS, 128), jnp.float32),
            pltpu.VMEM((UROWS, 128), jnp.float32),
            pltpu.SemaphoreType.DMA,
            pltpu.SemaphoreType.DMA,
            pltpu.SemaphoreType.DMA,
        ],
        name="rs_gather6",
    )
    return f(idx_a, idx_i, idx_s, idx_c, idx_t, idx_p,
             tbl_a, tbl_i, tbl_s, tbl_c, tbl_t, tbl_p)


def _sel2(x, par):
    return jnp.where(par == 1, x[:, 64:128], x[:, 0:64])


def _sel4(x, q):
    lo = jnp.where(q == 1, x[:, 32:64], x[:, 0:32])
    hi = jnp.where(q == 3, x[:, 96:128], x[:, 64:96])
    return jnp.where(q >= 2, hi, lo)


def _dense_body(uid_e, feat, iid_e, sell_e, cate_e, store_e, price_e, sub,
                uid_Wt, uid_b, adm1_Wt, adm1_b, adm2_Wt, adm2_b,
                iid_Wt, iid_b, sell_Wt, sell_b, cate_Wt, cate_b,
                store_Wt, store_b, price_Wt, price_b, itemfc_Wt, itemfc_b,
                out_ref):
    dot = functools.partial(jnp.dot, preferred_element_type=jnp.float32)
    s = sub[...]
    uid_d = dot(_sel2(uid_e[...], s[:, 0:1]), uid_Wt[...]) + uid_b[...]
    adm_d = dot(feat[...], adm1_Wt[...]) + adm1_b[...]
    adm_cat = jnp.concatenate([uid_d, adm_d], axis=1)
    adm_out = dot(adm_cat, adm2_Wt[...]) + adm2_b[...]

    iid_d = dot(_sel2(iid_e[...], s[:, 1:2]), iid_Wt[...]) + iid_b[...]
    sell_d = dot(_sel2(sell_e[...], s[:, 2:3]), sell_Wt[...]) + sell_b[...]
    cate_d = dot(_sel4(cate_e[...], s[:, 3:4]), cate_Wt[...]) + cate_b[...]
    store_d = dot(_sel4(store_e[...], s[:, 4:5]), store_Wt[...]) + store_b[...]
    price_d = dot(_sel2(price_e[...], s[:, 5:6]), price_Wt[...]) + price_b[...]
    item_cat = jnp.concatenate([iid_d, sell_d, cate_d, store_d, price_d],
                               axis=1)
    item_out = dot(item_cat, itemfc_Wt[...]) + itemfc_b[...]

    score = jnp.sum(adm_out * item_out, axis=1, keepdims=True)
    out_ref[...] = jax.nn.sigmoid(score)


def _dense(embs, feat, sub, ws, bs=2048):
    grid = (B // bs,)

    def row_spec(d):
        return pl.BlockSpec((bs, d), lambda i: (i, 0))

    def full_spec(a):
        return pl.BlockSpec(a.shape, lambda i: (0,) * a.ndim)

    uid_e, iid_e, sell_e, cate_e, store_e, price_e = embs
    in_specs = [row_spec(128), row_spec(32), row_spec(128), row_spec(128),
                row_spec(128), row_spec(128), row_spec(128), row_spec(8)]
    in_specs += [full_spec(w) for w in ws]
    out = pl.pallas_call(
        _dense_body,
        grid=grid,
        in_specs=in_specs,
        out_specs=pl.BlockSpec((bs, 1), lambda i: (i, 0)),
        out_shape=jax.ShapeDtypeStruct((B, 1), jnp.float32),
    )(uid_e, feat, iid_e, sell_e, cate_e, store_e, price_e, sub, *ws)
    return out.reshape(B)


def kernel(admin, item, admin_id_tbl, item_id_tbl, sell_tbl, cate_tbl,
           store_tbl, price_tbl, uid_W, uid_b, adm1_W, adm1_b, adm2_W,
           adm2_b, iid_W, iid_b, sell_W, sell_b, cate_W, cate_b, store_W,
           store_b, price_W, price_b, itemfc_W, itemfc_b):
    ia = admin[:, 0].astype(jnp.int32)
    ii, isl, ic, ist, ip = (item[:, 0], item[:, 1], item[:, 2], item[:, 3],
                            item[:, 4])

    t_adm = admin_id_tbl.reshape(-1, 128)
    t_item = item_id_tbl[:100000].reshape(-1, 128)
    t_sell = sell_tbl.reshape(-1, 128)
    t_cate = cate_tbl.reshape(-1, 128)
    t_store = store_tbl.reshape(-1, 128)
    t_price = price_tbl.reshape(-1, 128)

    def shp(x):
        return x.reshape(NW, NCHUNK, CHUNK)

    embs = _sc_gather(
        shp(ia // 2), shp(ii // 2), shp(isl // 2), shp(ic // 4),
        shp(ist // 4), shp(ip // 2),
        t_adm, t_item, t_sell, t_cate, t_store, t_price)

    sub = jnp.stack([ia % 2, ii % 2, isl % 2, ic % 4, ist % 4, ip % 2,
                     jnp.zeros_like(ia), jnp.zeros_like(ia)], axis=1)

    feat = admin[:, 1:]
    ws = (uid_W.T, uid_b.reshape(1, -1), adm1_W.T, adm1_b.reshape(1, -1),
          adm2_W.T, adm2_b.reshape(1, -1), iid_W.T, iid_b.reshape(1, -1),
          sell_W.T, sell_b.reshape(1, -1), cate_W.T, cate_b.reshape(1, -1),
          store_W.T, store_b.reshape(1, -1), price_W.T,
          price_b.reshape(1, -1), itemfc_W.T, itemfc_b.reshape(1, -1))
    return _dense(embs, feat, sub, ws)

# --- scband reference (transcript-rebuilt; emitter-appended) ---
"""Pipeline reference for scband-antai-rsmodel-7842610283364 (READ-ONLY COPY).

The authoritative reference and input builder live on the scoring server;
editing this copy changes nothing except your own understanding.
"""

import jax, jax.numpy as jnp
import numpy as np

B = 16384
EMB = 64
FC1 = 128
FC2 = 128
AFD = 32
ADMIN_MAX = 1000000
ITEM_MAX = 1000000
SELL_MAX = 100000
CATE_MAX = 100000
STORE_MAX = 100000
PRICE_MAX = 100000


def _linear(x, W, b):
    return x @ W.T + b


def setup_inputs(seed: int = 0) -> dict:
    key = jax.random.key(seed)
    ks = jax.random.split(key, 30)
    s = 0.02
    inp = {}
    inp['admin'] = jax.random.randint(ks[0], (B, 1 + AFD), 0, 1000000).astype(jnp.float32)
    inp['item'] = jax.random.randint(ks[1], (B, 5), 0, 100000).astype(jnp.int32)
    inp['admin_id_tbl'] = jax.random.normal(ks[2], (ADMIN_MAX, EMB), jnp.float32) * s
    inp['item_id_tbl'] = jax.random.normal(ks[3], (ITEM_MAX, EMB), jnp.float32) * s
    inp['sell_tbl'] = jax.random.normal(ks[4], (SELL_MAX, EMB), jnp.float32) * s
    inp['cate_tbl'] = jax.random.normal(ks[5], (CATE_MAX, EMB // 2), jnp.float32) * s
    inp['store_tbl'] = jax.random.normal(ks[6], (STORE_MAX, EMB // 2), jnp.float32) * s
    inp['price_tbl'] = jax.random.normal(ks[7], (PRICE_MAX, EMB), jnp.float32) * s
    inp['uid_W'] = jax.random.normal(ks[8], (FC1, EMB), jnp.float32) * s
    inp['uid_b'] = jnp.zeros((FC1,), jnp.float32)
    inp['adm1_W'] = jax.random.normal(ks[9], (FC1, AFD), jnp.float32) * s
    inp['adm1_b'] = jnp.zeros((FC1,), jnp.float32)
    inp['adm2_W'] = jax.random.normal(ks[10], (FC2, 2 * FC1), jnp.float32) * s
    inp['adm2_b'] = jnp.zeros((FC2,), jnp.float32)
    inp['iid_W'] = jax.random.normal(ks[11], (FC1, EMB), jnp.float32) * s
    inp['iid_b'] = jnp.zeros((FC1,), jnp.float32)
    inp['sell_W'] = jax.random.normal(ks[12], (FC1, EMB), jnp.float32) * s
    inp['sell_b'] = jnp.zeros((FC1,), jnp.float32)
    inp['cate_W'] = jax.random.normal(ks[13], (FC1 // 2, EMB // 2), jnp.float32) * s
    inp['cate_b'] = jnp.zeros((FC1 // 2,), jnp.float32)
    inp['store_W'] = jax.random.normal(ks[14], (FC1 // 2, EMB // 2), jnp.float32) * s
    inp['store_b'] = jnp.zeros((FC1 // 2,), jnp.float32)
    inp['price_W'] = jax.random.normal(ks[15], (FC1, EMB), jnp.float32) * s
    inp['price_b'] = jnp.zeros((FC1,), jnp.float32)
    inp['itemfc_W'] = jax.random.normal(ks[16], (FC2, 4 * FC1), jnp.float32) * s
    inp['itemfc_b'] = jnp.zeros((FC2,), jnp.float32)
    return inp


def reference(admin, item, admin_id_tbl, item_id_tbl, sell_tbl, cate_tbl, store_tbl, price_tbl,
              uid_W, uid_b, adm1_W, adm1_b, adm2_W, adm2_b,
              iid_W, iid_b, sell_W, sell_b, cate_W, cate_b, store_W, store_b,
              price_W, price_b, itemfc_W, itemfc_b):
    admin_ids = admin[:, 0].astype(jnp.int32)
    uid_e = jnp.take(admin_id_tbl, admin_ids, axis=0)
    uid_d = _linear(uid_e, uid_W, uid_b)
    adm_d = _linear(admin[:, 1:], adm1_W, adm1_b)
    adm_cat = jnp.concatenate([uid_d, adm_d], axis=1)
    adm_out = _linear(adm_cat, adm2_W, adm2_b)

    iid_e = jnp.take(item_id_tbl, item[:, 0], axis=0)
    sell_e = jnp.take(sell_tbl, item[:, 1], axis=0)
    cate_e = jnp.take(cate_tbl, item[:, 2], axis=0)
    store_e = jnp.take(store_tbl, item[:, 3], axis=0)
    price_e = jnp.take(price_tbl, item[:, 4], axis=0)

    iid_d = _linear(iid_e, iid_W, iid_b)
    sell_d = _linear(sell_e, sell_W, sell_b)
    cate_d = _linear(cate_e, cate_W, cate_b)
    store_d = _linear(store_e, store_W, store_b)
    price_d = _linear(price_e, price_W, price_b)

    item_cat = jnp.concatenate([iid_d, sell_d, cate_d, store_d, price_d], axis=1)
    item_out = _linear(item_cat, itemfc_W, itemfc_b)

    out = jax.nn.sigmoid(jnp.sum(adm_out * item_out, axis=1))
    return out

if __name__ == "__main__":
    import jax
    _d = setup_inputs()
    print(jax.jit(kernel)(*tuple(_d.values())))

</pallas_src>

<mosaic_0001>
#map = affine_map<(d0, d1) -> (0, 0, 0)>
#map1 = affine_map<(d0, d1) -> (0, 0)>
module attributes {stable_mosaic.version = 14 : i64} {
  func.func @rs_gather6(%arg0: i32, %arg1: i32, %arg2: memref<32x4x128xi32, #tpu.memory_space<hbm>>, %arg3: memref<32x4x128xi32, #tpu.memory_space<hbm>>, %arg4: memref<32x4x128xi32, #tpu.memory_space<hbm>>, %arg5: memref<32x4x128xi32, #tpu.memory_space<hbm>>, %arg6: memref<32x4x128xi32, #tpu.memory_space<hbm>>, %arg7: memref<32x4x128xi32, #tpu.memory_space<hbm>>, %arg8: memref<500000x128xf32, #tpu.memory_space<hbm>>, %arg9: memref<50000x128xf32, #tpu.memory_space<hbm>>, %arg10: memref<50000x128xf32, #tpu.memory_space<hbm>>, %arg11: memref<25000x128xf32, #tpu.memory_space<hbm>>, %arg12: memref<25000x128xf32, #tpu.memory_space<hbm>>, %arg13: memref<50000x128xf32, #tpu.memory_space<hbm>>, %arg14: memref<16384x128xf32, #tpu.memory_space<hbm>>, %arg15: memref<16384x128xf32, #tpu.memory_space<hbm>>, %arg16: memref<16384x128xf32, #tpu.memory_space<hbm>>, %arg17: memref<16384x128xf32, #tpu.memory_space<hbm>>, %arg18: memref<16384x128xf32, #tpu.memory_space<hbm>>, %arg19: memref<16384x128xf32, #tpu.memory_space<hbm>>, %arg20: memref<6x4x128xi32, #tpu.memory_space<vmem>>, %arg21: memref<256x128xf32, #tpu.memory_space<vmem>>, %arg22: memref<256x128xf32, #tpu.memory_space<vmem>>, %arg23: memref<256x128xf32, #tpu.memory_space<vmem>>, %arg24: memref<!tpu.dma_semaphore, #tpu.memory_space<semaphore_mem>>, %arg25: memref<!tpu.dma_semaphore, #tpu.memory_space<semaphore_mem>>, %arg26: memref<!tpu.dma_semaphore, #tpu.memory_space<semaphore_mem>>) attributes {dimension_semantics = [#tpu.dimension_semantics<core_parallel>, #tpu.dimension_semantics<subcore_parallel>], iteration_bounds = array<i64: 2, 16>, scalar_prefetch = 0 : i64, scratch_operands = 7 : i64, tpu.core_type = #tpu.core_type<sc_vector_subcore>, window_params = [{transform_indices = #map}, {transform_indices = #map}, {transform_indices = #map}, {transform_indices = #map}, {transform_indices = #map}, {transform_indices = #map}, {transform_indices = #map1}, {transform_indices = #map1}, {transform_indices = #map1}, {transform_indices = #map1}, {transform_indices = #map1}, {transform_indices = #map1}, {transform_indices = #map1}, {transform_indices = #map1}, {transform_indices = #map1}, {transform_indices = #map1}, {transform_indices = #map1}, {transform_indices = #map1}]} {
    %mul3A = arith.constant 2 : i32
    %mul3A_0 = arith.muli %arg1, %mul3A : i32
    %add3A = arith.addi %mul3A_0, %arg0 : i32
    %mul3A_1 = arith.constant 512 : i32
    %mul3A_2 = arith.muli %add3A, %mul3A_1 : i32
    %run_scoped3A = arith.constant 0 : i32
    "tpu.region"() ({
      %run_scoped3A_750 = tpu.sem_alloc : memref<!tpu.dma_semaphore, #tpu.memory_space<semaphore_mem>>
      %dma_start3A_751 = arith.constant 0 : i32
      %dma_start3A_752 = arith.constant 0 : i32
      %dma_start3A_753 = tpu.memref_slice %arg20[%run_scoped3A, %dma_start3A_751, %dma_start3A_752] : memref<6x4x128xi32, #tpu.memory_space<vmem>> -> memref<1x4x128xi32, #tpu.memory_space<vmem>>
      %dma_start3A_754 = tpu.memref_squeeze %dma_start3A_753 : memref<1x4x128xi32, #tpu.memory_space<vmem>> -> memref<4x128xi32, #tpu.memory_space<vmem>>
      %dma_start3A_755 = arith.constant 0 : i32
      %dma_start3A_756 = arith.constant 0 : i32
      %dma_start3A_757 = tpu.memref_slice %arg2[%add3A, %dma_start3A_755, %dma_start3A_756] : memref<32x4x128xi32, #tpu.memory_space<hbm>> -> memref<1x4x128xi32, #tpu.memory_space<hbm>>
      %dma_start3A_758 = tpu.memref_squeeze %dma_start3A_757 : memref<1x4x128xi32, #tpu.memory_space<hbm>> -> memref<4x128xi32, #tpu.memory_space<hbm>>
      %dma_start3A_759 = arith.constant 0 : i32
      %dma_start3A_760 = arith.constant 0 : i32
      %dma_start3A_761 = tpu.memref_slice %arg20[%run_scoped3A, %dma_start3A_759, %dma_start3A_760] : memref<6x4x128xi32, #tpu.memory_space<vmem>> -> memref<1x4x128xi32, #tpu.memory_space<vmem>>
      %dma_start3A_762 = tpu.memref_squeeze %dma_start3A_761 : memref<1x4x128xi32, #tpu.memory_space<vmem>> -> memref<4x128xi32, #tpu.memory_space<vmem>>
      %dma_start3A_763 = arith.constant 0 : i32
      %dma_start3A_764 = arith.constant 0 : i32
      %dma_start3A_765 = tpu.memref_slice %arg2[%add3A, %dma_start3A_763, %dma_start3A_764] : memref<32x4x128xi32, #tpu.memory_space<hbm>> -> memref<1x4x128xi32, #tpu.memory_space<hbm>>
      %dma_start3A_766 = tpu.memref_squeeze %dma_start3A_765 : memref<1x4x128xi32, #tpu.memory_space<hbm>> -> memref<4x128xi32, #tpu.memory_space<hbm>>
      tpu.enqueue_dma source(%dma_start3A_766 : memref<4x128xi32, #tpu.memory_space<hbm>>) target(%dma_start3A_762 : memref<4x128xi32, #tpu.memory_space<vmem>>) target_semaphore(%run_scoped3A_750 : memref<!tpu.dma_semaphore, #tpu.memory_space<semaphore_mem>>)
      %dma_wait3A_767 = arith.constant 0 : i32
      %dma_wait3A_768 = arith.constant 0 : i32
      %dma_wait3A_769 = tpu.memref_slice %arg20[%run_scoped3A, %dma_wait3A_767, %dma_wait3A_768] : memref<6x4x128xi32, #tpu.memory_space<vmem>> -> memref<1x4x128xi32, #tpu.memory_space<vmem>>
      %dma_wait3A_770 = tpu.memref_squeeze %dma_wait3A_769 : memref<1x4x128xi32, #tpu.memory_space<vmem>> -> memref<4x128xi32, #tpu.memory_space<vmem>>
      %dma_wait3A_771 = arith.constant 0 : i32
      %dma_wait3A_772 = arith.constant 0 : i32
      %dma_wait3A_773 = tpu.memref_slice %arg2[%add3A, %dma_wait3A_771, %dma_wait3A_772] : memref<32x4x128xi32, #tpu.memory_space<hbm>> -> memref<1x4x128xi32, #tpu.memory_space<hbm>>
      %dma_wait3A_774 = tpu.memref_squeeze %dma_wait3A_773 : memref<1x4x128xi32, #tpu.memory_space<hbm>> -> memref<4x128xi32, #tpu.memory_space<hbm>>
      %dma_wait3A_775 = arith.constant 0 : i32
      %dma_wait3A_776 = arith.constant 0 : i32
      %dma_wait3A_777 = tpu.memref_slice %arg20[%run_scoped3A, %dma_wait3A_775, %dma_wait3A_776] : memref<6x4x128xi32, #tpu.memory_space<vmem>> -> memref<1x4x128xi32, #tpu.memory_space<vmem>>
      %dma_wait3A_778 = tpu.memref_squeeze %dma_wait3A_777 : memref<1x4x128xi32, #tpu.memory_space<vmem>> -> memref<4x128xi32, #tpu.memory_space<vmem>>
      %dma_wait3A_779 = arith.constant 0 : i32
      %dma_wait3A_780 = arith.constant 0 : i32
      %dma_wait3A_781 = tpu.memref_slice %arg2[%add3A, %dma_wait3A_779, %dma_wait3A_780] : memref<32x4x128xi32, #tpu.memory_space<hbm>> -> memref<1x4x128xi32, #tpu.memory_space<hbm>>
      %dma_wait3A_782 = tpu.memref_squeeze %dma_wait3A_781 : memref<1x4x128xi32, #tpu.memory_space<hbm>> -> memref<4x128xi32, #tpu.memory_space<hbm>>
      tpu.wait_dma2 semaphore(%run_scoped3A_750 : memref<!tpu.dma_semaphore, #tpu.memory_space<semaphore_mem>>) src(%dma_wait3A_782 : memref<4x128xi32, #tpu.memory_space<hbm>>) dst(%dma_wait3A_778 : memref<4x128xi32, #tpu.memory_space<vmem>>)
      tpu.yield
    }) : () -> ()
    %run_scoped3A_3 = arith.constant 1 : i32
    "tpu.region"() ({
      %run_scoped3A_750 = tpu.sem_alloc : memref<!tpu.dma_semaphore, #tpu.memory_space<semaphore_mem>>
      %dma_start3A_751 = arith.constant 0 : i32
      %dma_start3A_752 = arith.constant 0 : i32
      %dma_start3A_753 = tpu.memref_slice %arg20[%run_scoped3A_3, %dma_start3A_751, %dma_start3A_752] : memref<6x4x128xi32, #tpu.memory_space<vmem>> -> memref<1x4x128xi32, #tpu.memory_space<vmem>>
      %dma_start3A_754 = tpu.memref_squeeze %dma_start3A_753 : memref<1x4x128xi32, #tpu.memory_space<vmem>> -> memref<4x128xi32, #tpu.memory_space<vmem>>
      %dma_start3A_755 = arith.constant 0 : i32
      %dma_start3A_756 = arith.constant 0 : i32
      %dma_start3A_757 = tpu.memref_slice %arg3[%add3A, %dma_start3A_755, %dma_start3A_756] : memref<32x4x128xi32, #tpu.memory_space<hbm>> -> memref<1x4x128xi32, #tpu.memory_space<hbm>>
      %dma_start3A_758 = tpu.memref_squeeze %dma_start3A_757 : memref<1x4x128xi32, #tpu.memory_space<hbm>> -> memref<4x128xi32, #tpu.memory_space<hbm>>
      %dma_start3A_759 = arith.constant 0 : i32
      %dma_start3A_760 = arith.constant 0 : i32
      %dma_start3A_761 = tpu.memref_slice %arg20[%run_scoped3A_3, %dma_start3A_759, %dma_start3A_760] : memref<6x4x128xi32, #tpu.memory_space<vmem>> -> memref<1x4x128xi32, #tpu.memory_space<vmem>>
      %dma_start3A_762 = tpu.memref_squeeze %dma_start3A_761 : memref<1x4x128xi32, #tpu.memory_space<vmem>> -> memref<4x128xi32, #tpu.memory_space<vmem>>
      %dma_start3A_763 = arith.constant 0 : i32
      %dma_start3A_764 = arith.constant 0 : i32
      %dma_start3A_765 = tpu.memref_slice %arg3[%add3A, %dma_start3A_763, %dma_start3A_764] : memref<32x4x128xi32, #tpu.memory_space<hbm>> -> memref<1x4x128xi32, #tpu.memory_space<hbm>>
      %dma_start3A_766 = tpu.memref_squeeze %dma_start3A_765 : memref<1x4x128xi32, #tpu.memory_space<hbm>> -> memref<4x128xi32, #tpu.memory_space<hbm>>
      tpu.enqueue_dma source(%dma_start3A_766 : memref<4x128xi32, #tpu.memory_space<hbm>>) target(%dma_start3A_762 : memref<4x128xi32, #tpu.memory_space<vmem>>) target_semaphore(%run_scoped3A_750 : memref<!tpu.dma_semaphore, #tpu.memory_space<semaphore_mem>>)
      %dma_wait3A_767 = arith.constant 0 : i32
      %dma_wait3A_768 = arith.constant 0 : i32
      %dma_wait3A_769 = tpu.memref_slice %arg20[%run_scoped3A_3, %dma_wait3A_767, %dma_wait3A_768] : memref<6x4x128xi32, #tpu.memory_space<vmem>> -> memref<1x4x128xi32, #tpu.memory_space<vmem>>
      %dma_wait3A_770 = tpu.memref_squeeze %dma_wait3A_769 : memref<1x4x128xi32, #tpu.memory_space<vmem>> -> memref<4x128xi32, #tpu.memory_space<vmem>>
      %dma_wait3A_771 = arith.constant 0 : i32
      %dma_wait3A_772 = arith.constant 0 : i32
      %dma_wait3A_773 = tpu.memref_slice %arg3[%add3A, %dma_wait3A_771, %dma_wait3A_772] : memref<32x4x128xi32, #tpu.memory_space<hbm>> -> memref<1x4x128xi32, #tpu.memory_space<hbm>>
      %dma_wait3A_774 = tpu.memref_squeeze %dma_wait3A_773 : memref<1x4x128xi32, #tpu.memory_space<hbm>> -> memref<4x128xi32, #tpu.memory_space<hbm>>
      %dma_wait3A_775 = arith.constant 0 : i32
      %dma_wait3A_776 = arith.constant 0 : i32
      %dma_wait3A_777 = tpu.memref_slice %arg20[%run_scoped3A_3, %dma_wait3A_775, %dma_wait3A_776] : memref<6x4x128xi32, #tpu.memory_space<vmem>> -> memref<1x4x128xi32, #tpu.memory_space<vmem>>
      %dma_wait3A_778 = tpu.memref_squeeze %dma_wait3A_777 : memref<1x4x128xi32, #tpu.memory_space<vmem>> -> memref<4x128xi32, #tpu.memory_space<vmem>>
      %dma_wait3A_779 = arith.constant 0 : i32
      %dma_wait3A_780 = arith.constant 0 : i32
      %dma_wait3A_781 = tpu.memref_slice %arg3[%add3A, %dma_wait3A_779, %dma_wait3A_780] : memref<32x4x128xi32, #tpu.memory_space<hbm>> -> memref<1x4x128xi32, #tpu.memory_space<hbm>>
      %dma_wait3A_782 = tpu.memref_squeeze %dma_wait3A_781 : memref<1x4x128xi32, #tpu.memory_space<hbm>> -> memref<4x128xi32, #tpu.memory_space<hbm>>
      tpu.wait_dma2 semaphore(%run_scoped3A_750 : memref<!tpu.dma_semaphore, #tpu.memory_space<semaphore_mem>>) src(%dma_wait3A_782 : memref<4x128xi32, #tpu.memory_space<hbm>>) dst(%dma_wait3A_778 : memref<4x128xi32, #tpu.memory_space<vmem>>)
      tpu.yield
    }) : () -> ()
    %run_scoped3A_4 = arith.constant 2 : i32
    "tpu.region"() ({
      %run_scoped3A_750 = tpu.sem_alloc : memref<!tpu.dma_semaphore, #tpu.memory_space<semaphore_mem>>
      %dma_start3A_751 = arith.constant 0 : i32
      %dma_start3A_752 = arith.constant 0 : i32
      %dma_start3A_753 = tpu.memref_slice %arg20[%run_scoped3A_4, %dma_start3A_751, %dma_start3A_752] : memref<6x4x128xi32, #tpu.memory_space<vmem>> -> memref<1x4x128xi32, #tpu.memory_space<vmem>>
      %dma_start3A_754 = tpu.memref_squeeze %dma_start3A_753 : memref<1x4x128xi32, #tpu.memory_space<vmem>> -> memref<4x128xi32, #tpu.memory_space<vmem>>
      %dma_start3A_755 = arith.constant 0 : i32
      %dma_start3A_756 = arith.constant 0 : i32
      %dma_start3A_757 = tpu.memref_slice %arg4[%add3A, %dma_start3A_755, %dma_start3A_756] : memref<32x4x128xi32, #tpu.memory_space<hbm>> -> memref<1x4x128xi32, #tpu.memory_space<hbm>>
      %dma_start3A_758 = tpu.memref_squeeze %dma_start3A_757 : memref<1x4x128xi32, #tpu.memory_space<hbm>> -> memref<4x128xi32, #tpu.memory_space<hbm>>
      %dma_start3A_759 = arith.constant 0 : i32
      %dma_start3A_760 = arith.constant 0 : i32
      %dma_start3A_761 = tpu.memref_slice %arg20[%run_scoped3A_4, %dma_start3A_759, %dma_start3A_760] : memref<6x4x128xi32, #tpu.memory_space<vmem>> -> memref<1x4x128xi32, #tpu.memory_space<vmem>>
      %dma_start3A_762 = tpu.memref_squeeze %dma_start3A_761 : memref<1x4x128xi32, #tpu.memory_space<vmem>> -> memref<4x128xi32, #tpu.memory_space<vmem>>
      %dma_start3A_763 = arith.constant 0 : i32
      %dma_start3A_764 = arith.constant 0 : i32
      %dma_start3A_765 = tpu.memref_slice %arg4[%add3A, %dma_start3A_763, %dma_start3A_764] : memref<32x4x128xi32, #tpu.memory_space<hbm>> -> memref<1x4x128xi32, #tpu.memory_space<hbm>>
      %dma_start3A_766 = tpu.memref_squeeze %dma_start3A_765 : memref<1x4x128xi32, #tpu.memory_space<hbm>> -> memref<4x128xi32, #tpu.memory_space<hbm>>
      tpu.enqueue_dma source(%dma_start3A_766 : memref<4x128xi32, #tpu.memory_space<hbm>>) target(%dma_start3A_762 : memref<4x128xi32, #tpu.memory_space<vmem>>) target_semaphore(%run_scoped3A_750 : memref<!tpu.dma_semaphore, #tpu.memory_space<semaphore_mem>>)
      %dma_wait3A_767 = arith.constant 0 : i32
      %dma_wait3A_768 = arith.constant 0 : i32
      %dma_wait3A_769 = tpu.memref_slice %arg20[%run_scoped3A_4, %dma_wait3A_767, %dma_wait3A_768] : memref<6x4x128xi32, #tpu.memory_space<vmem>> -> memref<1x4x128xi32, #tpu.memory_space<vmem>>
      %dma_wait3A_770 = tpu.memref_squeeze %dma_wait3A_769 : memref<1x4x128xi32, #tpu.memory_space<vmem>> -> memref<4x128xi32, #tpu.memory_space<vmem>>
      %dma_wait3A_771 = arith.constant 0 : i32
      %dma_wait3A_772 = arith.constant 0 : i32
      %dma_wait3A_773 = tpu.memref_slice %arg4[%add3A, %dma_wait3A_771, %dma_wait3A_772] : memref<32x4x128xi32, #tpu.memory_space<hbm>> -> memref<1x4x128xi32, #tpu.memory_space<hbm>>
      %dma_wait3A_774 = tpu.memref_squeeze %dma_wait3A_773 : memref<1x4x128xi32, #tpu.memory_space<hbm>> -> memref<4x128xi32, #tpu.memory_space<hbm>>
      %dma_wait3A_775 = arith.constant 0 : i32
      %dma_wait3A_776 = arith.constant 0 : i32
      %dma_wait3A_777 = tpu.memref_slice %arg20[%run_scoped3A_4, %dma_wait3A_775, %dma_wait3A_776] : memref<6x4x128xi32, #tpu.memory_space<vmem>> -> memref<1x4x128xi32, #tpu.memory_space<vmem>>
      %dma_wait3A_778 = tpu.memref_squeeze %dma_wait3A_777 : memref<1x4x128xi32, #tpu.memory_space<vmem>> -> memref<4x128xi32, #tpu.memory_space<vmem>>
      %dma_wait3A_779 = arith.constant 0 : i32
      %dma_wait3A_780 = arith.constant 0 : i32
      %dma_wait3A_781 = tpu.memref_slice %arg4[%add3A, %dma_wait3A_779, %dma_wait3A_780] : memref<32x4x128xi32, #tpu.memory_space<hbm>> -> memref<1x4x128xi32, #tpu.memory_space<hbm>>
      %dma_wait3A_782 = tpu.memref_squeeze %dma_wait3A_781 : memref<1x4x128xi32, #tpu.memory_space<hbm>> -> memref<4x128xi32, #tpu.memory_space<hbm>>
      tpu.wait_dma2 semaphore(%run_scoped3A_750 : memref<!tpu.dma_semaphore, #tpu.memory_space<semaphore_mem>>) src(%dma_wait3A_782 : memref<4x128xi32, #tpu.memory_space<hbm>>) dst(%dma_wait3A_778 : memref<4x128xi32, #tpu.memory_space<vmem>>)
      tpu.yield
    }) : () -> ()
    %run_scoped3A_5 = arith.constant 3 : i32
    "tpu.region"() ({
      %run_scoped3A_750 = tpu.sem_alloc : memref<!tpu.dma_semaphore, #tpu.memory_space<semaphore_mem>>
      %dma_start3A_751 = arith.constant 0 : i32
      %dma_start3A_752 = arith.constant 0 : i32
      %dma_start3A_753 = tpu.memref_slice %arg20[%run_scoped3A_5, %dma_start3A_751, %dma_start3A_752] : memref<6x4x128xi32, #tpu.memory_space<vmem>> -> memref<1x4x128xi32, #tpu.memory_space<vmem>>
      %dma_start3A_754 = tpu.memref_squeeze %dma_start3A_753 : memref<1x4x128xi32, #tpu.memory_space<vmem>> -> memref<4x128xi32, #tpu.memory_space<vmem>>
      %dma_start3A_755 = arith.constant 0 : i32
      %dma_start3A_756 = arith.constant 0 : i32
      %dma_start3A_757 = tpu.memref_slice %arg5[%add3A, %dma_start3A_755, %dma_start3A_756] : memref<32x4x128xi32, #tpu.memory_space<hbm>> -> memref<1x4x128xi32, #tpu.memory_space<hbm>>
      %dma_start3A_758 = tpu.memref_squeeze %dma_start3A_757 : memref<1x4x128xi32, #tpu.memory_space<hbm>> -> memref<4x128xi32, #tpu.memory_space<hbm>>
      %dma_start3A_759 = arith.constant 0 : i32
      %dma_start3A_760 = arith.constant 0 : i32
      %dma_start3A_761 = tpu.memref_slice %arg20[%run_scoped3A_5, %dma_start3A_759, %dma_start3A_760] : memref<6x4x128xi32, #tpu.memory_space<vmem>> -> memref<1x4x128xi32, #tpu.memory_space<vmem>>
      %dma_start3A_762 = tpu.memref_squeeze %dma_start3A_761 : memref<1x4x128xi32, #tpu.memory_space<vmem>> -> memref<4x128xi32, #tpu.memory_space<vmem>>
      %dma_start3A_763 = arith.constant 0 : i32
      %dma_start3A_764 = arith.constant 0 : i32
      %dma_start3A_765 = tpu.memref_slice %arg5[%add3A, %dma_start3A_763, %dma_start3A_764] : memref<32x4x128xi32, #tpu.memory_space<hbm>> -> memref<1x4x128xi32, #tpu.memory_space<hbm>>
      %dma_start3A_766 = tpu.memref_squeeze %dma_start3A_765 : memref<1x4x128xi32, #tpu.memory_space<hbm>> -> memref<4x128xi32, #tpu.memory_space<hbm>>
      tpu.enqueue_dma source(%dma_start3A_766 : memref<4x128xi32, #tpu.memory_space<hbm>>) target(%dma_start3A_762 : memref<4x128xi32, #tpu.memory_space<vmem>>) target_semaphore(%run_scoped3A_750 : memref<!tpu.dma_semaphore, #tpu.memory_space<semaphore_mem>>)
      %dma_wait3A_767 = arith.constant 0 : i32
      %dma_wait3A_768 = arith.constant 0 : i32
      %dma_wait3A_769 = tpu.memref_slice %arg20[%run_scoped3A_5, %dma_wait3A_767, %dma_wait3A_768] : memref<6x4x128xi32, #tpu.memory_space<vmem>> -> memref<1x4x128xi32, #tpu.memory_space<vmem>>
      %dma_wait3A_770 = tpu.memref_squeeze %dma_wait3A_769 : memref<1x4x128xi32, #tpu.memory_space<vmem>> -> memref<4x128xi32, #tpu.memory_space<vmem>>
      %dma_wait3A_771 = arith.constant 0 : i32
      %dma_wait3A_772 = arith.constant 0 : i32
      %dma_wait3A_773 = tpu.memref_slice %arg5[%add3A, %dma_wait3A_771, %dma_wait3A_772] : memref<32x4x128xi32, #tpu.memory_space<hbm>> -> memref<1x4x128xi32, #tpu.memory_space<hbm>>
      %dma_wait3A_774 = tpu.memref_squeeze %dma_wait3A_773 : memref<1x4x128xi32, #tpu.memory_space<hbm>> -> memref<4x128xi32, #tpu.memory_space<hbm>>
      %dma_wait3A_775 = arith.constant 0 : i32
      %dma_wait3A_776 = arith.constant 0 : i32
      %dma_wait3A_777 = tpu.memref_slice %arg20[%run_scoped3A_5, %dma_wait3A_775, %dma_wait3A_776] : memref<6x4x128xi32, #tpu.memory_space<vmem>> -> memref<1x4x128xi32, #tpu.memory_space<vmem>>
      %dma_wait3A_778 = tpu.memref_squeeze %dma_wait3A_777 : memref<1x4x128xi32, #tpu.memory_space<vmem>> -> memref<4x128xi32, #tpu.memory_space<vmem>>
      %dma_wait3A_779 = arith.constant 0 : i32
      %dma_wait3A_780 = arith.constant 0 : i32
      %dma_wait3A_781 = tpu.memref_slice %arg5[%add3A, %dma_wait3A_779, %dma_wait3A_780] : memref<32x4x128xi32, #tpu.memory_space<hbm>> -> memref<1x4x128xi32, #tpu.memory_space<hbm>>
      %dma_wait3A_782 = tpu.memref_squeeze %dma_wait3A_781 : memref<1x4x128xi32, #tpu.memory_space<hbm>> -> memref<4x128xi32, #tpu.memory_space<hbm>>
      tpu.wait_dma2 semaphore(%run_scoped3A_750 : memref<!tpu.dma_semaphore, #tpu.memory_space<semaphore_mem>>) src(%dma_wait3A_782 : memref<4x128xi32, #tpu.memory_space<hbm>>) dst(%dma_wait3A_778 : memref<4x128xi32, #tpu.memory_space<vmem>>)
      tpu.yield
    }) : () -> ()
    %run_scoped3A_6 = arith.constant 4 : i32
    "tpu.region"() ({
      %run_scoped3A_750 = tpu.sem_alloc : memref<!tpu.dma_semaphore, #tpu.memory_space<semaphore_mem>>
      %dma_start3A_751 = arith.constant 0 : i32
      %dma_start3A_752 = arith.constant 0 : i32
      %dma_start3A_753 = tpu.memref_slice %arg20[%run_scoped3A_6, %dma_start3A_751, %dma_start3A_752] : memref<6x4x128xi32, #tpu.memory_space<vmem>> -> memref<1x4x128xi32, #tpu.memory_space<vmem>>
      %dma_start3A_754 = tpu.memref_squeeze %dma_start3A_753 : memref<1x4x128xi32, #tpu.memory_space<vmem>> -> memref<4x128xi32, #tpu.memory_space<vmem>>
      %dma_start3A_755 = arith.constant 0 : i32
      %dma_start3A_756 = arith.constant 0 : i32
      %dma_start3A_757 = tpu.memref_slice %arg6[%add3A, %dma_start3A_755, %dma_start3A_756] : memref<32x4x128xi32, #tpu.memory_space<hbm>> -> memref<1x4x128xi32, #tpu.memory_space<hbm>>
      %dma_start3A_758 = tpu.memref_squeeze %dma_start3A_757 : memref<1x4x128xi32, #tpu.memory_space<hbm>> -> memref<4x128xi32, #tpu.memory_space<hbm>>
      %dma_start3A_759 = arith.constant 0 : i32
      %dma_start3A_760 = arith.constant 0 : i32
      %dma_start3A_761 = tpu.memref_slice %arg20[%run_scoped3A_6, %dma_start3A_759, %dma_start3A_760] : memref<6x4x128xi32, #tpu.memory_space<vmem>> -> memref<1x4x128xi32, #tpu.memory_space<vmem>>
      %dma_start3A_762 = tpu.memref_squeeze %dma_start3A_761 : memref<1x4x128xi32, #tpu.memory_space<vmem>> -> memref<4x128xi32, #tpu.memory_space<vmem>>
      %dma_start3A_763 = arith.constant 0 : i32
      %dma_start3A_764 = arith.constant 0 : i32
      %dma_start3A_765 = tpu.memref_slice %arg6[%add3A, %dma_start3A_763, %dma_start3A_764] : memref<32x4x128xi32, #tpu.memory_space<hbm>> -> memref<1x4x128xi32, #tpu.memory_space<hbm>>
      %dma_start3A_766 = tpu.memref_squeeze %dma_start3A_765 : memref<1x4x128xi32, #tpu.memory_space<hbm>> -> memref<4x128xi32, #tpu.memory_space<hbm>>
      tpu.enqueue_dma source(%dma_start3A_766 : memref<4x128xi32, #tpu.memory_space<hbm>>) target(%dma_start3A_762 : memref<4x128xi32, #tpu.memory_space<vmem>>) target_semaphore(%run_scoped3A_750 : memref<!tpu.dma_semaphore, #tpu.memory_space<semaphore_mem>>)
      %dma_wait3A_767 = arith.constant 0 : i32
      %dma_wait3A_768 = arith.constant 0 : i32
      %dma_wait3A_769 = tpu.memref_slice %arg20[%run_scoped3A_6, %dma_wait3A_767, %dma_wait3A_768] : memref<6x4x128xi32, #tpu.memory_space<vmem>> -> memref<1x4x128xi32, #tpu.memory_space<vmem>>
      %dma_wait3A_770 = tpu.memref_squeeze %dma_wait3A_769 : memref<1x4x128xi32, #tpu.memory_space<vmem>> -> memref<4x128xi32, #tpu.memory_space<vmem>>
      %dma_wait3A_771 = arith.constant 0 : i32
      %dma_wait3A_772 = arith.constant 0 : i32
      %dma_wait3A_773 = tpu.memref_slice %arg6[%add3A, %dma_wait3A_771, %dma_wait3A_772] : memref<32x4x128xi32, #tpu.memory_space<hbm>> -> memref<1x4x128xi32, #tpu.memory_space<hbm>>
      %dma_wait3A_774 = tpu.memref_squeeze %dma_wait3A_773 : memref<1x4x128xi32, #tpu.memory_space<hbm>> -> memref<4x128xi32, #tpu.memory_space<hbm>>
      %dma_wait3A_775 = arith.constant 0 : i32
      %dma_wait3A_776 = arith.constant 0 : i32
      %dma_wait3A_777 = tpu.memref_slice %arg20[%run_scoped3A_6, %dma_wait3A_775, %dma_wait3A_776] : memref<6x4x128xi32, #tpu.memory_space<vmem>> -> memref<1x4x128xi32, #tpu.memory_space<vmem>>
      %dma_wait3A_778 = tpu.memref_squeeze %dma_wait3A_777 : memref<1x4x128xi32, #tpu.memory_space<vmem>> -> memref<4x128xi32, #tpu.memory_space<vmem>>
      %dma_wait3A_779 = arith.constant 0 : i32
      %dma_wait3A_780 = arith.constant 0 : i32
      %dma_wait3A_781 = tpu.memref_slice %arg6[%add3A, %dma_wait3A_779, %dma_wait3A_780] : memref<32x4x128xi32, #tpu.memory_space<hbm>> -> memref<1x4x128xi32, #tpu.memory_space<hbm>>
      %dma_wait3A_782 = tpu.memref_squeeze %dma_wait3A_781 : memref<1x4x128xi32, #tpu.memory_space<hbm>> -> memref<4x128xi32, #tpu.memory_space<hbm>>
      tpu.wait_dma2 semaphore(%run_scoped3A_750 : memref<!tpu.dma_semaphore, #tpu.memory_space<semaphore_mem>>) src(%dma_wait3A_782 : memref<4x128xi32, #tpu.memory_space<hbm>>) dst(%dma_wait3A_778 : memref<4x128xi32, #tpu.memory_space<vmem>>)
      tpu.yield
    }) : () -> ()
    %run_scoped3A_7 = arith.constant 5 : i32
    "tpu.region"() ({
      %run_scoped3A_750 = tpu.sem_alloc : memref<!tpu.dma_semaphore, #tpu.memory_space<semaphore_mem>>
      %dma_start3A_751 = arith.constant 0 : i32
      %dma_start3A_752 = arith.constant 0 : i32
      %dma_start3A_753 = tpu.memref_slice %arg20[%run_scoped3A_7, %dma_start3A_751, %dma_start3A_752] : memref<6x4x128xi32, #tpu.memory_space<vmem>> -> memref<1x4x128xi32, #tpu.memory_space<vmem>>
      %dma_start3A_754 = tpu.memref_squeeze %dma_start3A_753 : memref<1x4x128xi32, #tpu.memory_space<vmem>> -> memref<4x128xi32, #tpu.memory_space<vmem>>
      %dma_start3A_755 = arith.constant 0 : i32
      %dma_start3A_756 = arith.constant 0 : i32
      %dma_start3A_757 = tpu.memref_slice %arg7[%add3A, %dma_start3A_755, %dma_start3A_756] : memref<32x4x128xi32, #tpu.memory_space<hbm>> -> memref<1x4x128xi32, #tpu.memory_space<hbm>>
      %dma_start3A_758 = tpu.memref_squeeze %dma_start3A_757 : memref<1x4x128xi32, #tpu.memory_space<hbm>> -> memref<4x128xi32, #tpu.memory_space<hbm>>
      %dma_start3A_759 = arith.constant 0 : i32
      %dma_start3A_760 = arith.constant 0 : i32
      %dma_start3A_761 = tpu.memref_slice %arg20[%run_scoped3A_7, %dma_start3A_759, %dma_start3A_760] : memref<6x4x128xi32, #tpu.memory_space<vmem>> -> memref<1x4x128xi32, #tpu.memory_space<vmem>>
      %dma_start3A_762 = tpu.memref_squeeze %dma_start3A_761 : memref<1x4x128xi32, #tpu.memory_space<vmem>> -> memref<4x128xi32, #tpu.memory_space<vmem>>
      %dma_start3A_763 = arith.constant 0 : i32
      %dma_start3A_764 = arith.constant 0 : i32
      %dma_start3A_765 = tpu.memref_slice %arg7[%add3A, %dma_start3A_763, %dma_start3A_764] : memref<32x4x128xi32, #tpu.memory_space<hbm>> -> memref<1x4x128xi32, #tpu.memory_space<hbm>>
      %dma_start3A_766 = tpu.memref_squeeze %dma_start3A_765 : memref<1x4x128xi32, #tpu.memory_space<hbm>> -> memref<4x128xi32, #tpu.memory_space<hbm>>
      tpu.enqueue_dma source(%dma_start3A_766 : memref<4x128xi32, #tpu.memory_space<hbm>>) target(%dma_start3A_762 : memref<4x128xi32, #tpu.memory_space<vmem>>) target_semaphore(%run_scoped3A_750 : memref<!tpu.dma_semaphore, #tpu.memory_space<semaphore_mem>>)
      %dma_wait3A_767 = arith.constant 0 : i32
      %dma_wait3A_768 = arith.constant 0 : i32
      %dma_wait3A_769 = tpu.memref_slice %arg20[%run_scoped3A_7, %dma_wait3A_767, %dma_wait3A_768] : memref<6x4x128xi32, #tpu.memory_space<vmem>> -> memref<1x4x128xi32, #tpu.memory_space<vmem>>
      %dma_wait3A_770 = tpu.memref_squeeze %dma_wait3A_769 : memref<1x4x128xi32, #tpu.memory_space<vmem>> -> memref<4x128xi32, #tpu.memory_space<vmem>>
      %dma_wait3A_771 = arith.constant 0 : i32
      %dma_wait3A_772 = arith.constant 0 : i32
      %dma_wait3A_773 = tpu.memref_slice %arg7[%add3A, %dma_wait3A_771, %dma_wait3A_772] : memref<32x4x128xi32, #tpu.memory_space<hbm>> -> memref<1x4x128xi32, #tpu.memory_space<hbm>>
      %dma_wait3A_774 = tpu.memref_squeeze %dma_wait3A_773 : memref<1x4x128xi32, #tpu.memory_space<hbm>> -> memref<4x128xi32, #tpu.memory_space<hbm>>
      %dma_wait3A_775 = arith.constant 0 : i32
      %dma_wait3A_776 = arith.constant 0 : i32
      %dma_wait3A_777 = tpu.memref_slice %arg20[%run_scoped3A_7, %dma_wait3A_775, %dma_wait3A_776] : memref<6x4x128xi32, #tpu.memory_space<vmem>> -> memref<1x4x128xi32, #tpu.memory_space<vmem>>
      %dma_wait3A_778 = tpu.memref_squeeze %dma_wait3A_777 : memref<1x4x128xi32, #tpu.memory_space<vmem>> -> memref<4x128xi32, #tpu.memory_space<vmem>>
      %dma_wait3A_779 = arith.constant 0 : i32
      %dma_wait3A_780 = arith.constant 0 : i32
      %dma_wait3A_781 = tpu.memref_slice %arg7[%add3A, %dma_wait3A_779, %dma_wait3A_780] : memref<32x4x128xi32, #tpu.memory_space<hbm>> -> memref<1x4x128xi32, #tpu.memory_space<hbm>>
      %dma_wait3A_782 = tpu.memref_squeeze %dma_wait3A_781 : memref<1x4x128xi32, #tpu.memory_space<hbm>> -> memref<4x128xi32, #tpu.memory_space<hbm>>
      tpu.wait_dma2 semaphore(%run_scoped3A_750 : memref<!tpu.dma_semaphore, #tpu.memory_space<semaphore_mem>>) src(%dma_wait3A_782 : memref<4x128xi32, #tpu.memory_space<hbm>>) dst(%dma_wait3A_778 : memref<4x128xi32, #tpu.memory_space<vmem>>)
      tpu.yield
    }) : () -> ()
    %dma_start3A = arith.constant 0 : i32
    %dma_start3A_8 = arith.constant 0 : i32
    %dma_start3A_9 = arith.constant 0 : i32
    %dma_start3A_10 = arith.constant 0 : i32
    %dma_start3A_11 = tpu.memref_slice %arg21[%dma_start3A_9, %dma_start3A_10] : memref<256x128xf32, #tpu.memory_space<vmem>> -> memref<128x128xf32, #tpu.memory_space<vmem>>
    %dma_start3A_12 = arith.constant 0 : i32
    %dma_start3A_13 = arith.constant 0 : i32
    %dma_start3A_14 = tpu.memref_slice %arg20[%dma_start3A, %dma_start3A_12, %dma_start3A_13] : memref<6x4x128xi32, #tpu.memory_space<vmem>> -> memref<1x4x128xi32, #tpu.memory_space<vmem>>
    %dma_start3A_15 = tpu.memref_squeeze %dma_start3A_14 : memref<1x4x128xi32, #tpu.memory_space<vmem>> -> memref<4x128xi32, #tpu.memory_space<vmem>>
    %dma_start3A_16 = arith.constant 0 : i32
    %dma_start3A_17 = tpu.memref_slice %dma_start3A_15[%dma_start3A_8, %dma_start3A_16] : memref<4x128xi32, #tpu.memory_space<vmem>> -> memref<1x128xi32, #tpu.memory_space<vmem>>
    %dma_start3A_18 = tpu.memref_squeeze %dma_start3A_17 : memref<1x128xi32, #tpu.memory_space<vmem>> -> memref<128xi32, #tpu.memory_space<vmem>>
    %dma_start3A_19 = arith.constant 0 : i32
    %dma_start3A_20 = arith.constant 0 : i32
    %dma_start3A_21 = tpu.memref_slice %arg8[%dma_start3A_19, %dma_start3A_20] : memref<500000x128xf32, #tpu.memory_space<hbm>> -> memref<500000x128xf32, #tpu.memory_space<hbm>>
    tpu.enqueue_indirect_dma source(%dma_start3A_21 : memref<500000x128xf32, #tpu.memory_space<hbm>>) target(%dma_start3A_11 : memref<128x128xf32, #tpu.memory_space<vmem>>) offsets(%dma_start3A_18 : memref<128xi32, #tpu.memory_space<vmem>>) semaphore(%arg24 : memref<!tpu.dma_semaphore, #tpu.memory_space<semaphore_mem>>)
    %dma_start3A_22 = arith.constant 0 : i32
    %dma_start3A_23 = arith.constant 1 : i32
    %dma_start3A_24 = arith.constant 128 : i32
    %dma_start3A_25 = arith.constant 0 : i32
    %dma_start3A_26 = tpu.memref_slice %arg21[%dma_start3A_24, %dma_start3A_25] : memref<256x128xf32, #tpu.memory_space<vmem>> -> memref<128x128xf32, #tpu.memory_space<vmem>>
    %dma_start3A_27 = arith.constant 0 : i32
    %dma_start3A_28 = arith.constant 0 : i32
    %dma_start3A_29 = tpu.memref_slice %arg20[%dma_start3A_22, %dma_start3A_27, %dma_start3A_28] : memref<6x4x128xi32, #tpu.memory_space<vmem>> -> memref<1x4x128xi32, #tpu.memory_space<vmem>>
    %dma_start3A_30 = tpu.memref_squeeze %dma_start3A_29 : memref<1x4x128xi32, #tpu.memory_space<vmem>> -> memref<4x128xi32, #tpu.memory_space<vmem>>
    %dma_start3A_31 = arith.constant 0 : i32
    %dma_start3A_32 = tpu.memref_slice %dma_start3A_30[%dma_start3A_23, %dma_start3A_31] : memref<4x128xi32, #tpu.memory_space<vmem>> -> memref<1x128xi32, #tpu.memory_space<vmem>>
    %dma_start3A_33 = tpu.memref_squeeze %dma_start3A_32 : memref<1x128xi32, #tpu.memory_space<vmem>> -> memref<128xi32, #tpu.memory_space<vmem>>
    %dma_start3A_34 = arith.constant 0 : i32
    %dma_start3A_35 = arith.constant 0 : i32
    %dma_start3A_36 = tpu.memref_slice %arg8[%dma_start3A_34, %dma_start3A_35] : memref<500000x128xf32, #tpu.memory_space<hbm>> -> memref<500000x128xf32, #tpu.memory_space<hbm>>
    tpu.enqueue_indirect_dma source(%dma_start3A_36 : memref<500000x128xf32, #tpu.memory_space<hbm>>) target(%dma_start3A_26 : memref<128x128xf32, #tpu.memory_space<vmem>>) offsets(%dma_start3A_33 : memref<128xi32, #tpu.memory_space<vmem>>) semaphore(%arg24 : memref<!tpu.dma_semaphore, #tpu.memory_space<semaphore_mem>>)
    %dma_start3A_37 = arith.constant 0 : i32
    %dma_start3A_38 = arith.constant 2 : i32
    %dma_start3A_39 = arith.constant 0 : i32
    %dma_start3A_40 = arith.constant 0 : i32
    %dma_start3A_41 = tpu.memref_slice %arg22[%dma_start3A_39, %dma_start3A_40] : memref<256x128xf32, #tpu.memory_space<vmem>> -> memref<128x128xf32, #tpu.memory_space<vmem>>
    %dma_start3A_42 = arith.constant 0 : i32
    %dma_start3A_43 = arith.constant 0 : i32
    %dma_start3A_44 = tpu.memref_slice %arg20[%dma_start3A_37, %dma_start3A_42, %dma_start3A_43] : memref<6x4x128xi32, #tpu.memory_space<vmem>> -> memref<1x4x128xi32, #tpu.memory_space<vmem>>
    %dma_start3A_45 = tpu.memref_squeeze %dma_start3A_44 : memref<1x4x128xi32, #tpu.memory_space<vmem>> -> memref<4x128xi32, #tpu.memory_space<vmem>>
    %dma_start3A_46 = arith.constant 0 : i32
    %dma_start3A_47 = tpu.memref_slice %dma_start3A_45[%dma_start3A_38, %dma_start3A_46] : memref<4x128xi32, #tpu.memory_space<vmem>> -> memref<1x128xi32, #tpu.memory_space<vmem>>
    %dma_start3A_48 = tpu.memref_squeeze %dma_start3A_47 : memref<1x128xi32, #tpu.memory_space<vmem>> -> memref<128xi32, #tpu.memory_space<vmem>>
    %dma_start3A_49 = arith.constant 0 : i32
    %dma_start3A_50 = arith.constant 0 : i32
    %dma_start3A_51 = tpu.memref_slice %arg8[%dma_start3A_49, %dma_start3A_50] : memref<500000x128xf32, #tpu.memory_space<hbm>> -> memref<500000x128xf32, #tpu.memory_space<hbm>>
    tpu.enqueue_indirect_dma source(%dma_start3A_51 : memref<500000x128xf32, #tpu.memory_space<hbm>>) target(%dma_start3A_41 : memref<128x128xf32, #tpu.memory_space<vmem>>) offsets(%dma_start3A_48 : memref<128xi32, #tpu.memory_space<vmem>>) semaphore(%arg25 : memref<!tpu.dma_semaphore, #tpu.memory_space<semaphore_mem>>)
    %dma_start3A_52 = arith.constant 0 : i32
    %dma_start3A_53 = arith.constant 3 : i32
    %dma_start3A_54 = arith.constant 128 : i32
    %dma_start3A_55 = arith.constant 0 : i32
    %dma_start3A_56 = tpu.memref_slice %arg22[%dma_start3A_54, %dma_start3A_55] : memref<256x128xf32, #tpu.memory_space<vmem>> -> memref<128x128xf32, #tpu.memory_space<vmem>>
    %dma_start3A_57 = arith.constant 0 : i32
    %dma_start3A_58 = arith.constant 0 : i32
    %dma_start3A_59 = tpu.memref_slice %arg20[%dma_start3A_52, %dma_start3A_57, %dma_start3A_58] : memref<6x4x128xi32, #tpu.memory_space<vmem>> -> memref<1x4x128xi32, #tpu.memory_space<vmem>>
    %dma_start3A_60 = tpu.memref_squeeze %dma_start3A_59 : memref<1x4x128xi32, #tpu.memory_space<vmem>> -> memref<4x128xi32, #tpu.memory_space<vmem>>
    %dma_start3A_61 = arith.constant 0 : i32
    %dma_start3A_62 = tpu.memref_slice %dma_start3A_60[%dma_start3A_53, %dma_start3A_61] : memref<4x128xi32, #tpu.memory_space<vmem>> -> memref<1x128xi32, #tpu.memory_space<vmem>>
    %dma_start3A_63 = tpu.memref_squeeze %dma_start3A_62 : memref<1x128xi32, #tpu.memory_space<vmem>> -> memref<128xi32, #tpu.memory_space<vmem>>
    %dma_start3A_64 = arith.constant 0 : i32
    %dma_start3A_65 = arith.constant 0 : i32
    %dma_start3A_66 = tpu.memref_slice %arg8[%dma_start3A_64, %dma_start3A_65] : memref<500000x128xf32, #tpu.memory_space<hbm>> -> memref<500000x128xf32, #tpu.memory_space<hbm>>
    tpu.enqueue_indirect_dma source(%dma_start3A_66 : memref<500000x128xf32, #tpu.memory_space<hbm>>) target(%dma_start3A_56 : memref<128x128xf32, #tpu.memory_space<vmem>>) offsets(%dma_start3A_63 : memref<128xi32, #tpu.memory_space<vmem>>) semaphore(%arg25 : memref<!tpu.dma_semaphore, #tpu.memory_space<semaphore_mem>>)
    %dma_start3A_67 = arith.constant 1 : i32
    %dma_start3A_68 = arith.constant 0 : i32
    %dma_start3A_69 = arith.constant 0 : i32
    %dma_start3A_70 = arith.constant 0 : i32
    %dma_start3A_71 = tpu.memref_slice %arg23[%dma_start3A_69, %dma_start3A_70] : memref<256x128xf32, #tpu.memory_space<vmem>> -> memref<128x128xf32, #tpu.memory_space<vmem>>
    %dma_start3A_72 = arith.constant 0 : i32
    %dma_start3A_73 = arith.constant 0 : i32
    %dma_start3A_74 = tpu.memref_slice %arg20[%dma_start3A_67, %dma_start3A_72, %dma_start3A_73] : memref<6x4x128xi32, #tpu.memory_space<vmem>> -> memref<1x4x128xi32, #tpu.memory_space<vmem>>
    %dma_start3A_75 = tpu.memref_squeeze %dma_start3A_74 : memref<1x4x128xi32, #tpu.memory_space<vmem>> -> memref<4x128xi32, #tpu.memory_space<vmem>>
    %dma_start3A_76 = arith.constant 0 : i32
    %dma_start3A_77 = tpu.memref_slice %dma_start3A_75[%dma_start3A_68, %dma_start3A_76] : memref<4x128xi32, #tpu.memory_space<vmem>> -> memref<1x128xi32, #tpu.memory_space<vmem>>
    %dma_start3A_78 = tpu.memref_squeeze %dma_start3A_77 : memref<1x128xi32, #tpu.memory_space<vmem>> -> memref<128xi32, #tpu.memory_space<vmem>>
    %dma_start3A_79 = arith.constant 0 : i32
    %dma_start3A_80 = arith.constant 0 : i32
    %dma_start3A_81 = tpu.memref_slice %arg9[%dma_start3A_79, %dma_start3A_80] : memref<50000x128xf32, #tpu.memory_space<hbm>> -> memref<50000x128xf32, #tpu.memory_space<hbm>>
    tpu.enqueue_indirect_dma source(%dma_start3A_81 : memref<50000x128xf32, #tpu.memory_space<hbm>>) target(%dma_start3A_71 : memref<128x128xf32, #tpu.memory_space<vmem>>) offsets(%dma_start3A_78 : memref<128xi32, #tpu.memory_space<vmem>>) semaphore(%arg26 : memref<!tpu.dma_semaphore, #tpu.memory_space<semaphore_mem>>)
    %dma_start3A_82 = arith.constant 1 : i32
    %dma_start3A_83 = arith.constant 1 : i32
    %dma_start3A_84 = arith.constant 128 : i32
    %dma_start3A_85 = arith.constant 0 : i32
    %dma_start3A_86 = tpu.memref_slice %arg23[%dma_start3A_84, %dma_start3A_85] : memref<256x128xf32, #tpu.memory_space<vmem>> -> memref<128x128xf32, #tpu.memory_space<vmem>>
    %dma_start3A_87 = arith.constant 0 : i32
    %dma_start3A_88 = arith.constant 0 : i32
    %dma_start3A_89 = tpu.memref_slice %arg20[%dma_start3A_82, %dma_start3A_87, %dma_start3A_88] : memref<6x4x128xi32, #tpu.memory_space<vmem>> -> memref<1x4x128xi32, #tpu.memory_space<vmem>>
    %dma_start3A_90 = tpu.memref_squeeze %dma_start3A_89 : memref<1x4x128xi32, #tpu.memory_space<vmem>> -> memref<4x128xi32, #tpu.memory_space<vmem>>
    %dma_start3A_91 = arith.constant 0 : i32
    %dma_start3A_92 = tpu.memref_slice %dma_start3A_90[%dma_start3A_83, %dma_start3A_91] : memref<4x128xi32, #tpu.memory_space<vmem>> -> memref<1x128xi32, #tpu.memory_space<vmem>>
    %dma_start3A_93 = tpu.memref_squeeze %dma_start3A_92 : memref<1x128xi32, #tpu.memory_space<vmem>> -> memref<128xi32, #tpu.memory_space<vmem>>
    %dma_start3A_94 = arith.constant 0 : i32
    %dma_start3A_95 = arith.constant 0 : i32
    %dma_start3A_96 = tpu.memref_slice %arg9[%dma_start3A_94, %dma_start3A_95] : memref<50000x128xf32, #tpu.memory_space<hbm>> -> memref<50000x128xf32, #tpu.memory_space<hbm>>
    tpu.enqueue_indirect_dma source(%dma_start3A_96 : memref<50000x128xf32, #tpu.memory_space<hbm>>) target(%dma_start3A_86 : memref<128x128xf32, #tpu.memory_space<vmem>>) offsets(%dma_start3A_93 : memref<128xi32, #tpu.memory_space<vmem>>) semaphore(%arg26 : memref<!tpu.dma_semaphore, #tpu.memory_space<semaphore_mem>>)
    %dma_wait3A = arith.constant 0 : i32
    %dma_wait3A_97 = arith.constant 0 : i32
    %dma_wait3A_98 = arith.constant 0 : i32
    %dma_wait3A_99 = arith.constant 0 : i32
    %dma_wait3A_100 = tpu.memref_slice %arg21[%dma_wait3A_98, %dma_wait3A_99] : memref<256x128xf32, #tpu.memory_space<vmem>> -> memref<128x128xf32, #tpu.memory_space<vmem>>
    %dma_wait3A_101 = arith.constant 0 : i32
    %dma_wait3A_102 = arith.constant 0 : i32
    %dma_wait3A_103 = tpu.memref_slice %arg20[%dma_wait3A, %dma_wait3A_101, %dma_wait3A_102] : memref<6x4x128xi32, #tpu.memory_space<vmem>> -> memref<1x4x128xi32, #tpu.memory_space<vmem>>
    %dma_wait3A_104 = tpu.memref_squeeze %dma_wait3A_103 : memref<1x4x128xi32, #tpu.memory_space<vmem>> -> memref<4x128xi32, #tpu.memory_space<vmem>>
    %dma_wait3A_105 = arith.constant 0 : i32
    %dma_wait3A_106 = tpu.memref_slice %dma_wait3A_104[%dma_wait3A_97, %dma_wait3A_105] : memref<4x128xi32, #tpu.memory_space<vmem>> -> memref<1x128xi32, #tpu.memory_space<vmem>>
    %dma_wait3A_107 = tpu.memref_squeeze %dma_wait3A_106 : memref<1x128xi32, #tpu.memory_space<vmem>> -> memref<128xi32, #tpu.memory_space<vmem>>
    %dma_wait3A_108 = arith.constant 0 : i32
    %dma_wait3A_109 = arith.constant 0 : i32
    %dma_wait3A_110 = tpu.memref_slice %arg8[%dma_wait3A_108, %dma_wait3A_109] : memref<500000x128xf32, #tpu.memory_space<hbm>> -> memref<500000x128xf32, #tpu.memory_space<hbm>>
    tpu.wait_indirect_dma semaphore(%arg24 : memref<!tpu.dma_semaphore, #tpu.memory_space<semaphore_mem>>) src(%dma_wait3A_110 : memref<500000x128xf32, #tpu.memory_space<hbm>>) dst(%dma_wait3A_100 : memref<128x128xf32, #tpu.memory_space<vmem>>)
    %dma_wait3A_111 = arith.constant 0 : i32
    %dma_wait3A_112 = arith.constant 1 : i32
    %dma_wait3A_113 = arith.constant 128 : i32
    %dma_wait3A_114 = arith.constant 0 : i32
    %dma_wait3A_115 = tpu.memref_slice %arg21[%dma_wait3A_113, %dma_wait3A_114] : memref<256x128xf32, #tpu.memory_space<vmem>> -> memref<128x128xf32, #tpu.memory_space<vmem>>
    %dma_wait3A_116 = arith.constant 0 : i32
    %dma_wait3A_117 = arith.constant 0 : i32
    %dma_wait3A_118 = tpu.memref_slice %arg20[%dma_wait3A_111, %dma_wait3A_116, %dma_wait3A_117] : memref<6x4x128xi32, #tpu.memory_space<vmem>> -> memref<1x4x128xi32, #tpu.memory_space<vmem>>
    %dma_wait3A_119 = tpu.memref_squeeze %dma_wait3A_118 : memref<1x4x128xi32, #tpu.memory_space<vmem>> -> memref<4x128xi32, #tpu.memory_space<vmem>>
    %dma_wait3A_120 = arith.constant 0 : i32
    %dma_wait3A_121 = tpu.memref_slice %dma_wait3A_119[%dma_wait3A_112, %dma_wait3A_120] : memref<4x128xi32, #tpu.memory_space<vmem>> -> memref<1x128xi32, #tpu.memory_space<vmem>>
    %dma_wait3A_122 = tpu.memref_squeeze %dma_wait3A_121 : memref<1x128xi32, #tpu.memory_space<vmem>> -> memref<128xi32, #tpu.memory_space<vmem>>
    %dma_wait3A_123 = arith.constant 0 : i32
    %dma_wait3A_124 = arith.constant 0 : i32
    %dma_wait3A_125 = tpu.memref_slice %arg8[%dma_wait3A_123, %dma_wait3A_124] : memref<500000x128xf32, #tpu.memory_space<hbm>> -> memref<500000x128xf32, #tpu.memory_space<hbm>>
    tpu.wait_indirect_dma semaphore(%arg24 : memref<!tpu.dma_semaphore, #tpu.memory_space<semaphore_mem>>) src(%dma_wait3A_125 : memref<500000x128xf32, #tpu.memory_space<hbm>>) dst(%dma_wait3A_115 : memref<128x128xf32, #tpu.memory_space<vmem>>)
    %add3A_126 = arith.constant 0 : i32
    %add3A_127 = arith.addi %mul3A_2, %add3A_126 : i32
    "tpu.region"() ({
      %run_scoped3A_750 = tpu.sem_alloc : memref<!tpu.dma_semaphore, #tpu.memory_space<semaphore_mem>>
      %dma_start3A_751 = arith.constant 0 : i32
      %dma_start3A_752 = tpu.memref_slice %arg14[%add3A_127, %dma_start3A_751] : memref<16384x128xf32, #tpu.memory_space<hbm>> -> memref<256x128xf32, #tpu.memory_space<hbm>>
      %dma_start3A_753 = arith.constant 0 : i32
      %dma_start3A_754 = tpu.memref_slice %arg14[%add3A_127, %dma_start3A_753] : memref<16384x128xf32, #tpu.memory_space<hbm>> -> memref<256x128xf32, #tpu.memory_space<hbm>>
      tpu.enqueue_dma source(%arg21 : memref<256x128xf32, #tpu.memory_space<vmem>>) target(%dma_start3A_754 : memref<256x128xf32, #tpu.memory_space<hbm>>) target_semaphore(%run_scoped3A_750 : memref<!tpu.dma_semaphore, #tpu.memory_space<semaphore_mem>>)
      %dma_wait3A_755 = arith.constant 0 : i32
      %dma_wait3A_756 = tpu.memref_slice %arg14[%add3A_127, %dma_wait3A_755] : memref<16384x128xf32, #tpu.memory_space<hbm>> -> memref<256x128xf32, #tpu.memory_space<hbm>>
      %dma_wait3A_757 = arith.constant 0 : i32
      %dma_wait3A_758 = tpu.memref_slice %arg14[%add3A_127, %dma_wait3A_757] : memref<16384x128xf32, #tpu.memory_space<hbm>> -> memref<256x128xf32, #tpu.memory_space<hbm>>
      tpu.wait_dma2 semaphore(%run_scoped3A_750 : memref<!tpu.dma_semaphore, #tpu.memory_space<semaphore_mem>>) src(%arg21 : memref<256x128xf32, #tpu.memory_space<vmem>>) dst(%dma_wait3A_758 : memref<256x128xf32, #tpu.memory_space<hbm>>)
      tpu.yield
    }) : () -> ()
    %dma_start3A_128 = arith.constant 1 : i32
    %dma_start3A_129 = arith.constant 2 : i32
    %dma_start3A_130 = arith.constant 0 : i32
    %dma_start3A_131 = arith.constant 0 : i32
    %dma_start3A_132 = tpu.memref_slice %arg21[%dma_start3A_130, %dma_start3A_131] : memref<256x128xf32, #tpu.memory_space<vmem>> -> memref<128x128xf32, #tpu.memory_space<vmem>>
    %dma_start3A_133 = arith.constant 0 : i32
    %dma_start3A_134 = arith.constant 0 : i32
    %dma_start3A_135 = tpu.memref_slice %arg20[%dma_start3A_128, %dma_start3A_133, %dma_start3A_134] : memref<6x4x128xi32, #tpu.memory_space<vmem>> -> memref<1x4x128xi32, #tpu.memory_space<vmem>>
    %dma_start3A_136 = tpu.memref_squeeze %dma_start3A_135 : memref<1x4x128xi32, #tpu.memory_space<vmem>> -> memref<4x128xi32, #tpu.memory_space<vmem>>
    %dma_start3A_137 = arith.constant 0 : i32
    %dma_start3A_138 = tpu.memref_slice %dma_start3A_136[%dma_start3A_129, %dma_start3A_137] : memref<4x128xi32, #tpu.memory_space<vmem>> -> memref<1x128xi32, #tpu.memory_space<vmem>>
    %dma_start3A_139 = tpu.memref_squeeze %dma_start3A_138 : memref<1x128xi32, #tpu.memory_space<vmem>> -> memref<128xi32, #tpu.memory_space<vmem>>
    %dma_start3A_140 = arith.constant 0 : i32
    %dma_start3A_141 = arith.constant 0 : i32
    %dma_start3A_142 = tpu.memref_slice %arg9[%dma_start3A_140, %dma_start3A_141] : memref<50000x128xf32, #tpu.memory_space<hbm>> -> memref<50000x128xf32, #tpu.memory_space<hbm>>
    tpu.enqueue_indirect_dma source(%dma_start3A_142 : memref<50000x128xf32, #tpu.memory_space<hbm>>) target(%dma_start3A_132 : memref<128x128xf32, #tpu.memory_space<vmem>>) offsets(%dma_start3A_139 : memref<128xi32, #tpu.memory_space<vmem>>) semaphore(%arg24 : memref<!tpu.dma_semaphore, #tpu.memory_space<semaphore_mem>>)
    %dma_start3A_143 = arith.constant 1 : i32
    %dma_start3A_144 = arith.constant 3 : i32
    %dma_start3A_145 = arith.constant 128 : i32
    %dma_start3A_146 = arith.constant 0 : i32
    %dma_start3A_147 = tpu.memref_slice %arg21[%dma_start3A_145, %dma_start3A_146] : memref<256x128xf32, #tpu.memory_space<vmem>> -> memref<128x128xf32, #tpu.memory_space<vmem>>
    %dma_start3A_148 = arith.constant 0 : i32
    %dma_start3A_149 = arith.constant 0 : i32
    %dma_start3A_150 = tpu.memref_slice %arg20[%dma_start3A_143, %dma_start3A_148, %dma_start3A_149] : memref<6x4x128xi32, #tpu.memory_space<vmem>> -> memref<1x4x128xi32, #tpu.memory_space<vmem>>
    %dma_start3A_151 = tpu.memref_squeeze %dma_start3A_150 : memref<1x4x128xi32, #tpu.memory_space<vmem>> -> memref<4x128xi32, #tpu.memory_space<vmem>>
    %dma_start3A_152 = arith.constant 0 : i32
    %dma_start3A_153 = tpu.memref_slice %dma_start3A_151[%dma_start3A_144, %dma_start3A_152] : memref<4x128xi32, #tpu.memory_space<vmem>> -> memref<1x128xi32, #tpu.memory_space<vmem>>
    %dma_start3A_154 = tpu.memref_squeeze %dma_start3A_153 : memref<1x128xi32, #tpu.memory_space<vmem>> -> memref<128xi32, #tpu.memory_space<vmem>>
    %dma_start3A_155 = arith.constant 0 : i32
    %dma_start3A_156 = arith.constant 0 : i32
    %dma_start3A_157 = tpu.memref_slice %arg9[%dma_start3A_155, %dma_start3A_156] : memref<50000x128xf32, #tpu.memory_space<hbm>> -> memref<50000x128xf32, #tpu.memory_space<hbm>>
    tpu.enqueue_indirect_dma source(%dma_start3A_157 : memref<50000x128xf32, #tpu.memory_space<hbm>>) target(%dma_start3A_147 : memref<128x128xf32, #tpu.memory_space<vmem>>) offsets(%dma_start3A_154 : memref<128xi32, #tpu.memory_space<vmem>>) semaphore(%arg24 : memref<!tpu.dma_semaphore, #tpu.memory_space<semaphore_mem>>)
    %dma_wait3A_158 = arith.constant 0 : i32
    %dma_wait3A_159 = arith.constant 2 : i32
    %dma_wait3A_160 = arith.constant 0 : i32
    %dma_wait3A_161 = arith.constant 0 : i32
    %dma_wait3A_162 = tpu.memref_slice %arg22[%dma_wait3A_160, %dma_wait3A_161] : memref<256x128xf32, #tpu.memory_space<vmem>> -> memref<128x128xf32, #tpu.memory_space<vmem>>
    %dma_wait3A_163 = arith.constant 0 : i32
    %dma_wait3A_164 = arith.constant 0 : i32
    %dma_wait3A_165 = tpu.memref_slice %arg20[%dma_wait3A_158, %dma_wait3A_163, %dma_wait3A_164] : memref<6x4x128xi32, #tpu.memory_space<vmem>> -> memref<1x4x128xi32, #tpu.memory_space<vmem>>
    %dma_wait3A_166 = tpu.memref_squeeze %dma_wait3A_165 : memref<1x4x128xi32, #tpu.memory_space<vmem>> -> memref<4x128xi32, #tpu.memory_space<vmem>>
    %dma_wait3A_167 = arith.constant 0 : i32
    %dma_wait3A_168 = tpu.memref_slice %dma_wait3A_166[%dma_wait3A_159, %dma_wait3A_167] : memref<4x128xi32, #tpu.memory_space<vmem>> -> memref<1x128xi32, #tpu.memory_space<vmem>>
    %dma_wait3A_169 = tpu.memref_squeeze %dma_wait3A_168 : memref<1x128xi32, #tpu.memory_space<vmem>> -> memref<128xi32, #tpu.memory_space<vmem>>
    %dma_wait3A_170 = arith.constant 0 : i32
    %dma_wait3A_171 = arith.constant 0 : i32
    %dma_wait3A_172 = tpu.memref_slice %arg8[%dma_wait3A_170, %dma_wait3A_171] : memref<500000x128xf32, #tpu.memory_space<hbm>> -> memref<500000x128xf32, #tpu.memory_space<hbm>>
    tpu.wait_indirect_dma semaphore(%arg25 : memref<!tpu.dma_semaphore, #tpu.memory_space<semaphore_mem>>) src(%dma_wait3A_172 : memref<500000x128xf32, #tpu.memory_space<hbm>>) dst(%dma_wait3A_162 : memref<128x128xf32, #tpu.memory_space<vmem>>)
    %dma_wait3A_173 = arith.constant 0 : i32
    %dma_wait3A_174 = arith.constant 3 : i32
    %dma_wait3A_175 = arith.constant 128 : i32
    %dma_wait3A_176 = arith.constant 0 : i32
    %dma_wait3A_177 = tpu.memref_slice %arg22[%dma_wait3A_175, %dma_wait3A_176] : memref<256x128xf32, #tpu.memory_space<vmem>> -> memref<128x128xf32, #tpu.memory_space<vmem>>
    %dma_wait3A_178 = arith.constant 0 : i32
    %dma_wait3A_179 = arith.constant 0 : i32
    %dma_wait3A_180 = tpu.memref_slice %arg20[%dma_wait3A_173, %dma_wait3A_178, %dma_wait3A_179] : memref<6x4x128xi32, #tpu.memory_space<vmem>> -> memref<1x4x128xi32, #tpu.memory_space<vmem>>
    %dma_wait3A_181 = tpu.memref_squeeze %dma_wait3A_180 : memref<1x4x128xi32, #tpu.memory_space<vmem>> -> memref<4x128xi32, #tpu.memory_space<vmem>>
    %dma_wait3A_182 = arith.constant 0 : i32
    %dma_wait3A_183 = tpu.memref_slice %dma_wait3A_181[%dma_wait3A_174, %dma_wait3A_182] : memref<4x128xi32, #tpu.memory_space<vmem>> -> memref<1x128xi32, #tpu.memory_space<vmem>>
    %dma_wait3A_184 = tpu.memref_squeeze %dma_wait3A_183 : memref<1x128xi32, #tpu.memory_space<vmem>> -> memref<128xi32, #tpu.memory_space<vmem>>
    %dma_wait3A_185 = arith.constant 0 : i32
    %dma_wait3A_186 = arith.constant 0 : i32
    %dma_wait3A_187 = tpu.memref_slice %arg8[%dma_wait3A_185, %dma_wait3A_186] : memref<500000x128xf32, #tpu.memory_space<hbm>> -> memref<500000x128xf32, #tpu.memory_space<hbm>>
    tpu.wait_indirect_dma semaphore(%arg25 : memref<!tpu.dma_semaphore, #tpu.memory_space<semaphore_mem>>) src(%dma_wait3A_187 : memref<500000x128xf32, #tpu.memory_space<hbm>>) dst(%dma_wait3A_177 : memref<128x128xf32, #tpu.memory_space<vmem>>)
    %add3A_188 = arith.constant 256 : i32
    %add3A_189 = arith.addi %mul3A_2, %add3A_188 : i32
    "tpu.region"() ({
      %run_scoped3A_750 = tpu.sem_alloc : memref<!tpu.dma_semaphore, #tpu.memory_space<semaphore_mem>>
      %dma_start3A_751 = arith.constant 0 : i32
      %dma_start3A_752 = tpu.memref_slice %arg14[%add3A_189, %dma_start3A_751] : memref<16384x128xf32, #tpu.memory_space<hbm>> -> memref<256x128xf32, #tpu.memory_space<hbm>>
      %dma_start3A_753 = arith.constant 0 : i32
      %dma_start3A_754 = tpu.memref_slice %arg14[%add3A_189, %dma_start3A_753] : memref<16384x128xf32, #tpu.memory_space<hbm>> -> memref<256x128xf32, #tpu.memory_space<hbm>>
      tpu.enqueue_dma source(%arg22 : memref<256x128xf32, #tpu.memory_space<vmem>>) target(%dma_start3A_754 : memref<256x128xf32, #tpu.memory_space<hbm>>) target_semaphore(%run_scoped3A_750 : memref<!tpu.dma_semaphore, #tpu.memory_space<semaphore_mem>>)
      %dma_wait3A_755 = arith.constant 0 : i32
      %dma_wait3A_756 = tpu.memref_slice %arg14[%add3A_189, %dma_wait3A_755] : memref<16384x128xf32, #tpu.memory_space<hbm>> -> memref<256x128xf32, #tpu.memory_space<hbm>>
      %dma_wait3A_757 = arith.constant 0 : i32
      %dma_wait3A_758 = tpu.memref_slice %arg14[%add3A_189, %dma_wait3A_757] : memref<16384x128xf32, #tpu.memory_space<hbm>> -> memref<256x128xf32, #tpu.memory_space<hbm>>
      tpu.wait_dma2 semaphore(%run_scoped3A_750 : memref<!tpu.dma_semaphore, #tpu.memory_space<semaphore_mem>>) src(%arg22 : memref<256x128xf32, #tpu.memory_space<vmem>>) dst(%dma_wait3A_758 : memref<256x128xf32, #tpu.memory_space<hbm>>)
      tpu.yield
    }) : () -> ()
    %dma_start3A_190 = arith.constant 2 : i32
    %dma_start3A_191 = arith.constant 0 : i32
    %dma_start3A_192 = arith.constant 0 : i32
    %dma_start3A_193 = arith.constant 0 : i32
    %dma_start3A_194 = tpu.memref_slice %arg22[%dma_start3A_192, %dma_start3A_193] : memref<256x128xf32, #tpu.memory_space<vmem>> -> memref<128x128xf32, #tpu.memory_space<vmem>>
    %dma_start3A_195 = arith.constant 0 : i32
    %dma_start3A_196 = arith.constant 0 : i32
    %dma_start3A_197 = tpu.memref_slice %arg20[%dma_start3A_190, %dma_start3A_195, %dma_start3A_196] : memref<6x4x128xi32, #tpu.memory_space<vmem>> -> memref<1x4x128xi32, #tpu.memory_space<vmem>>
    %dma_start3A_198 = tpu.memref_squeeze %dma_start3A_197 : memref<1x4x128xi32, #tpu.memory_space<vmem>> -> memref<4x128xi32, #tpu.memory_space<vmem>>
    %dma_start3A_199 = arith.constant 0 : i32
    %dma_start3A_200 = tpu.memref_slice %dma_start3A_198[%dma_start3A_191, %dma_start3A_199] : memref<4x128xi32, #tpu.memory_space<vmem>> -> memref<1x128xi32, #tpu.memory_space<vmem>>
    %dma_start3A_201 = tpu.memref_squeeze %dma_start3A_200 : memref<1x128xi32, #tpu.memory_space<vmem>> -> memref<128xi32, #tpu.memory_space<vmem>>
    %dma_start3A_202 = arith.constant 0 : i32
    %dma_start3A_203 = arith.constant 0 : i32
    %dma_start3A_204 = tpu.memref_slice %arg10[%dma_start3A_202, %dma_start3A_203] : memref<50000x128xf32, #tpu.memory_space<hbm>> -> memref<50000x128xf32, #tpu.memory_space<hbm>>
    tpu.enqueue_indirect_dma source(%dma_start3A_204 : memref<50000x128xf32, #tpu.memory_space<hbm>>) target(%dma_start3A_194 : memref<128x128xf32, #tpu.memory_space<vmem>>) offsets(%dma_start3A_201 : memref<128xi32, #tpu.memory_space<vmem>>) semaphore(%arg25 : memref<!tpu.dma_semaphore, #tpu.memory_space<semaphore_mem>>)
    %dma_start3A_205 = arith.constant 2 : i32
    %dma_start3A_206 = arith.constant 1 : i32
    %dma_start3A_207 = arith.constant 128 : i32
    %dma_start3A_208 = arith.constant 0 : i32
    %dma_start3A_209 = tpu.memref_slice %arg22[%dma_start3A_207, %dma_start3A_208] : memref<256x128xf32, #tpu.memory_space<vmem>> -> memref<128x128xf32, #tpu.memory_space<vmem>>
    %dma_start3A_210 = arith.constant 0 : i32
    %dma_start3A_211 = arith.constant 0 : i32
    %dma_start3A_212 = tpu.memref_slice %arg20[%dma_start3A_205, %dma_start3A_210, %dma_start3A_211] : memref<6x4x128xi32, #tpu.memory_space<vmem>> -> memref<1x4x128xi32, #tpu.memory_space<vmem>>
    %dma_start3A_213 = tpu.memref_squeeze %dma_start3A_212 : memref<1x4x128xi32, #tpu.memory_space<vmem>> -> memref<4x128xi32, #tpu.memory_space<vmem>>
    %dma_start3A_214 = arith.constant 0 : i32
    %dma_start3A_215 = tpu.memref_slice %dma_start3A_213[%dma_start3A_206, %dma_start3A_214] : memref<4x128xi32, #tpu.memory_space<vmem>> -> memref<1x128xi32, #tpu.memory_space<vmem>>
    %dma_start3A_216 = tpu.memref_squeeze %dma_start3A_215 : memref<1x128xi32, #tpu.memory_space<vmem>> -> memref<128xi32, #tpu.memory_space<vmem>>
    %dma_start3A_217 = arith.constant 0 : i32
    %dma_start3A_218 = arith.constant 0 : i32
    %dma_start3A_219 = tpu.memref_slice %arg10[%dma_start3A_217, %dma_start3A_218] : memref<50000x128xf32, #tpu.memory_space<hbm>> -> memref<50000x128xf32, #tpu.memory_space<hbm>>
    tpu.enqueue_indirect_dma source(%dma_start3A_219 : memref<50000x128xf32, #tpu.memory_space<hbm>>) target(%dma_start3A_209 : memref<128x128xf32, #tpu.memory_space<vmem>>) offsets(%dma_start3A_216 : memref<128xi32, #tpu.memory_space<vmem>>) semaphore(%arg25 : memref<!tpu.dma_semaphore, #tpu.memory_space<semaphore_mem>>)
    %dma_wait3A_220 = arith.constant 1 : i32
    %dma_wait3A_221 = arith.constant 0 : i32
    %dma_wait3A_222 = arith.constant 0 : i32
    %dma_wait3A_223 = arith.constant 0 : i32
    %dma_wait3A_224 = tpu.memref_slice %arg23[%dma_wait3A_222, %dma_wait3A_223] : memref<256x128xf32, #tpu.memory_space<vmem>> -> memref<128x128xf32, #tpu.memory_space<vmem>>
    %dma_wait3A_225 = arith.constant 0 : i32
    %dma_wait3A_226 = arith.constant 0 : i32
    %dma_wait3A_227 = tpu.memref_slice %arg20[%dma_wait3A_220, %dma_wait3A_225, %dma_wait3A_226] : memref<6x4x128xi32, #tpu.memory_space<vmem>> -> memref<1x4x128xi32, #tpu.memory_space<vmem>>
    %dma_wait3A_228 = tpu.memref_squeeze %dma_wait3A_227 : memref<1x4x128xi32, #tpu.memory_space<vmem>> -> memref<4x128xi32, #tpu.memory_space<vmem>>
    %dma_wait3A_229 = arith.constant 0 : i32
    %dma_wait3A_230 = tpu.memref_slice %dma_wait3A_228[%dma_wait3A_221, %dma_wait3A_229] : memref<4x128xi32, #tpu.memory_space<vmem>> -> memref<1x128xi32, #tpu.memory_space<vmem>>
    %dma_wait3A_231 = tpu.memref_squeeze %dma_wait3A_230 : memref<1x128xi32, #tpu.memory_space<vmem>> -> memref<128xi32, #tpu.memory_space<vmem>>
    %dma_wait3A_232 = arith.constant 0 : i32
    %dma_wait3A_233 = arith.constant 0 : i32
    %dma_wait3A_234 = tpu.memref_slice %arg9[%dma_wait3A_232, %dma_wait3A_233] : memref<50000x128xf32, #tpu.memory_space<hbm>> -> memref<50000x128xf32, #tpu.memory_space<hbm>>
    tpu.wait_indirect_dma semaphore(%arg26 : memref<!tpu.dma_semaphore, #tpu.memory_space<semaphore_mem>>) src(%dma_wait3A_234 : memref<50000x128xf32, #tpu.memory_space<hbm>>) dst(%dma_wait3A_224 : memref<128x128xf32, #tpu.memory_space<vmem>>)
    %dma_wait3A_235 = arith.constant 1 : i32
    %dma_wait3A_236 = arith.constant 1 : i32
    %dma_wait3A_237 = arith.constant 128 : i32
    %dma_wait3A_238 = arith.constant 0 : i32
    %dma_wait3A_239 = tpu.memref_slice %arg23[%dma_wait3A_237, %dma_wait3A_238] : memref<256x128xf32, #tpu.memory_space<vmem>> -> memref<128x128xf32, #tpu.memory_space<vmem>>
    %dma_wait3A_240 = arith.constant 0 : i32
    %dma_wait3A_241 = arith.constant 0 : i32
    %dma_wait3A_242 = tpu.memref_slice %arg20[%dma_wait3A_235, %dma_wait3A_240, %dma_wait3A_241] : memref<6x4x128xi32, #tpu.memory_space<vmem>> -> memref<1x4x128xi32, #tpu.memory_space<vmem>>
    %dma_wait3A_243 = tpu.memref_squeeze %dma_wait3A_242 : memref<1x4x128xi32, #tpu.memory_space<vmem>> -> memref<4x128xi32, #tpu.memory_space<vmem>>
    %dma_wait3A_244 = arith.constant 0 : i32
    %dma_wait3A_245 = tpu.memref_slice %dma_wait3A_243[%dma_wait3A_236, %dma_wait3A_244] : memref<4x128xi32, #tpu.memory_space<vmem>> -> memref<1x128xi32, #tpu.memory_space<vmem>>
    %dma_wait3A_246 = tpu.memref_squeeze %dma_wait3A_245 : memref<1x128xi32, #tpu.memory_space<vmem>> -> memref<128xi32, #tpu.memory_space<vmem>>
    %dma_wait3A_247 = arith.constant 0 : i32
    %dma_wait3A_248 = arith.constant 0 : i32
    %dma_wait3A_249 = tpu.memref_slice %arg9[%dma_wait3A_247, %dma_wait3A_248] : memref<50000x128xf32, #tpu.memory_space<hbm>> -> memref<50000x128xf32, #tpu.memory_space<hbm>>
    tpu.wait_indirect_dma semaphore(%arg26 : memref<!tpu.dma_semaphore, #tpu.memory_space<semaphore_mem>>) src(%dma_wait3A_249 : memref<50000x128xf32, #tpu.memory_space<hbm>>) dst(%dma_wait3A_239 : memref<128x128xf32, #tpu.memory_space<vmem>>)
    %add3A_250 = arith.constant 0 : i32
    %add3A_251 = arith.addi %mul3A_2, %add3A_250 : i32
    "tpu.region"() ({
      %run_scoped3A_750 = tpu.sem_alloc : memref<!tpu.dma_semaphore, #tpu.memory_space<semaphore_mem>>
      %dma_start3A_751 = arith.constant 0 : i32
      %dma_start3A_752 = tpu.memref_slice %arg15[%add3A_251, %dma_start3A_751] : memref<16384x128xf32, #tpu.memory_space<hbm>> -> memref<256x128xf32, #tpu.memory_space<hbm>>
      %dma_start3A_753 = arith.constant 0 : i32
      %dma_start3A_754 = tpu.memref_slice %arg15[%add3A_251, %dma_start3A_753] : memref<16384x128xf32, #tpu.memory_space<hbm>> -> memref<256x128xf32, #tpu.memory_space<hbm>>
      tpu.enqueue_dma source(%arg23 : memref<256x128xf32, #tpu.memory_space<vmem>>) target(%dma_start3A_754 : memref<256x128xf32, #tpu.memory_space<hbm>>) target_semaphore(%run_scoped3A_750 : memref<!tpu.dma_semaphore, #tpu.memory_space<semaphore_mem>>)
      %dma_wait3A_755 = arith.constant 0 : i32
      %dma_wait3A_756 = tpu.memref_slice %arg15[%add3A_251, %dma_wait3A_755] : memref<16384x128xf32, #tpu.memory_space<hbm>> -> memref<256x128xf32, #tpu.memory_space<hbm>>
      %dma_wait3A_757 = arith.constant 0 : i32
      %dma_wait3A_758 = tpu.memref_slice %arg15[%add3A_251, %dma_wait3A_757] : memref<16384x128xf32, #tpu.memory_space<hbm>> -> memref<256x128xf32, #tpu.memory_space<hbm>>
      tpu.wait_dma2 semaphore(%run_scoped3A_750 : memref<!tpu.dma_semaphore, #tpu.memory_space<semaphore_mem>>) src(%arg23 : memref<256x128xf32, #tpu.memory_space<vmem>>) dst(%dma_wait3A_758 : memref<256x128xf32, #tpu.memory_space<hbm>>)
      tpu.yield
    }) : () -> ()
    %dma_start3A_252 = arith.constant 2 : i32
    %dma_start3A_253 = arith.constant 2 : i32
    %dma_start3A_254 = arith.constant 0 : i32
    %dma_start3A_255 = arith.constant 0 : i32
    %dma_start3A_256 = tpu.memref_slice %arg23[%dma_start3A_254, %dma_start3A_255] : memref<256x128xf32, #tpu.memory_space<vmem>> -> memref<128x128xf32, #tpu.memory_space<vmem>>
    %dma_start3A_257 = arith.constant 0 : i32
    %dma_start3A_258 = arith.constant 0 : i32
    %dma_start3A_259 = tpu.memref_slice %arg20[%dma_start3A_252, %dma_start3A_257, %dma_start3A_258] : memref<6x4x128xi32, #tpu.memory_space<vmem>> -> memref<1x4x128xi32, #tpu.memory_space<vmem>>
    %dma_start3A_260 = tpu.memref_squeeze %dma_start3A_259 : memref<1x4x128xi32, #tpu.memory_space<vmem>> -> memref<4x128xi32, #tpu.memory_space<vmem>>
    %dma_start3A_261 = arith.constant 0 : i32
    %dma_start3A_262 = tpu.memref_slice %dma_start3A_260[%dma_start3A_253, %dma_start3A_261] : memref<4x128xi32, #tpu.memory_space<vmem>> -> memref<1x128xi32, #tpu.memory_space<vmem>>
    %dma_start3A_263 = tpu.memref_squeeze %dma_start3A_262 : memref<1x128xi32, #tpu.memory_space<vmem>> -> memref<128xi32, #tpu.memory_space<vmem>>
    %dma_start3A_264 = arith.constant 0 : i32
    %dma_start3A_265 = arith.constant 0 : i32
    %dma_start3A_266 = tpu.memref_slice %arg10[%dma_start3A_264, %dma_start3A_265] : memref<50000x128xf32, #tpu.memory_space<hbm>> -> memref<50000x128xf32, #tpu.memory_space<hbm>>
    tpu.enqueue_indirect_dma source(%dma_start3A_266 : memref<50000x128xf32, #tpu.memory_space<hbm>>) target(%dma_start3A_256 : memref<128x128xf32, #tpu.memory_space<vmem>>) offsets(%dma_start3A_263 : memref<128xi32, #tpu.memory_space<vmem>>) semaphore(%arg26 : memref<!tpu.dma_semaphore, #tpu.memory_space<semaphore_mem>>)
    %dma_start3A_267 = arith.constant 2 : i32
    %dma_start3A_268 = arith.constant 3 : i32
    %dma_start3A_269 = arith.constant 128 : i32
    %dma_start3A_270 = arith.constant 0 : i32
    %dma_start3A_271 = tpu.memref_slice %arg23[%dma_start3A_269, %dma_start3A_270] : memref<256x128xf32, #tpu.memory_space<vmem>> -> memref<128x128xf32, #tpu.memory_space<vmem>>
    %dma_start3A_272 = arith.constant 0 : i32
    %dma_start3A_273 = arith.constant 0 : i32
    %dma_start3A_274 = tpu.memref_slice %arg20[%dma_start3A_267, %dma_start3A_272, %dma_start3A_273] : memref<6x4x128xi32, #tpu.memory_space<vmem>> -> memref<1x4x128xi32, #tpu.memory_space<vmem>>
    %dma_start3A_275 = tpu.memref_squeeze %dma_start3A_274 : memref<1x4x128xi32, #tpu.memory_space<vmem>> -> memref<4x128xi32, #tpu.memory_space<vmem>>
    %dma_start3A_276 = arith.constant 0 : i32
    %dma_start3A_277 = tpu.memref_slice %dma_start3A_275[%dma_start3A_268, %dma_start3A_276] : memref<4x128xi32, #tpu.memory_space<vmem>> -> memref<1x128xi32, #tpu.memory_space<vmem>>
    %dma_start3A_278 = tpu.memref_squeeze %dma_start3A_277 : memref<1x128xi32, #tpu.memory_space<vmem>> -> memref<128xi32, #tpu.memory_space<vmem>>
    %dma_start3A_279 = arith.constant 0 : i32
    %dma_start3A_280 = arith.constant 0 : i32
    %dma_start3A_281 = tpu.memref_slice %arg10[%dma_start3A_279, %dma_start3A_280] : memref<50000x128xf32, #tpu.memory_space<hbm>> -> memref<50000x128xf32, #tpu.memory_space<hbm>>
    tpu.enqueue_indirect_dma source(%dma_start3A_281 : memref<50000x128xf32, #tpu.memory_space<hbm>>) target(%dma_start3A_271 : memref<128x128xf32, #tpu.memory_space<vmem>>) offsets(%dma_start3A_278 : memref<128xi32, #tpu.memory_space<vmem>>) semaphore(%arg26 : memref<!tpu.dma_semaphore, #tpu.memory_space<semaphore_mem>>)
    %dma_wait3A_282 = arith.constant 1 : i32
    %dma_wait3A_283 = arith.constant 2 : i32
    %dma_wait3A_284 = arith.constant 0 : i32
    %dma_wait3A_285 = arith.constant 0 : i32
    %dma_wait3A_286 = tpu.memref_slice %arg21[%dma_wait3A_284, %dma_wait3A_285] : memref<256x128xf32, #tpu.memory_space<vmem>> -> memref<128x128xf32, #tpu.memory_space<vmem>>
    %dma_wait3A_287 = arith.constant 0 : i32
    %dma_wait3A_288 = arith.constant 0 : i32
    %dma_wait3A_289 = tpu.memref_slice %arg20[%dma_wait3A_282, %dma_wait3A_287, %dma_wait3A_288] : memref<6x4x128xi32, #tpu.memory_space<vmem>> -> memref<1x4x128xi32, #tpu.memory_space<vmem>>
    %dma_wait3A_290 = tpu.memref_squeeze %dma_wait3A_289 : memref<1x4x128xi32, #tpu.memory_space<vmem>> -> memref<4x128xi32, #tpu.memory_space<vmem>>
    %dma_wait3A_291 = arith.constant 0 : i32
    %dma_wait3A_292 = tpu.memref_slice %dma_wait3A_290[%dma_wait3A_283, %dma_wait3A_291] : memref<4x128xi32, #tpu.memory_space<vmem>> -> memref<1x128xi32, #tpu.memory_space<vmem>>
    %dma_wait3A_293 = tpu.memref_squeeze %dma_wait3A_292 : memref<1x128xi32, #tpu.memory_space<vmem>> -> memref<128xi32, #tpu.memory_space<vmem>>
    %dma_wait3A_294 = arith.constant 0 : i32
    %dma_wait3A_295 = arith.constant 0 : i32
    %dma_wait3A_296 = tpu.memref_slice %arg9[%dma_wait3A_294, %dma_wait3A_295] : memref<50000x128xf32, #tpu.memory_space<hbm>> -> memref<50000x128xf32, #tpu.memory_space<hbm>>
    tpu.wait_indirect_dma semaphore(%arg24 : memref<!tpu.dma_semaphore, #tpu.memory_space<semaphore_mem>>) src(%dma_wait3A_296 : memref<50000x128xf32, #tpu.memory_space<hbm>>) dst(%dma_wait3A_286 : memref<128x128xf32, #tpu.memory_space<vmem>>)
    %dma_wait3A_297 = arith.constant 1 : i32
    %dma_wait3A_298 = arith.constant 3 : i32
    %dma_wait3A_299 = arith.constant 128 : i32
    %dma_wait3A_300 = arith.constant 0 : i32
    %dma_wait3A_301 = tpu.memref_slice %arg21[%dma_wait3A_299, %dma_wait3A_300] : memref<256x128xf32, #tpu.memory_space<vmem>> -> memref<128x128xf32, #tpu.memory_space<vmem>>
    %dma_wait3A_302 = arith.constant 0 : i32
    %dma_wait3A_303 = arith.constant 0 : i32
    %dma_wait3A_304 = tpu.memref_slice %arg20[%dma_wait3A_297, %dma_wait3A_302, %dma_wait3A_303] : memref<6x4x128xi32, #tpu.memory_space<vmem>> -> memref<1x4x128xi32, #tpu.memory_space<vmem>>
    %dma_wait3A_305 = tpu.memref_squeeze %dma_wait3A_304 : memref<1x4x128xi32, #tpu.memory_space<vmem>> -> memref<4x128xi32, #tpu.memory_space<vmem>>
    %dma_wait3A_306 = arith.constant 0 : i32
    %dma_wait3A_307 = tpu.memref_slice %dma_wait3A_305[%dma_wait3A_298, %dma_wait3A_306] : memref<4x128xi32, #tpu.memory_space<vmem>> -> memref<1x128xi32, #tpu.memory_space<vmem>>
    %dma_wait3A_308 = tpu.memref_squeeze %dma_wait3A_307 : memref<1x128xi32, #tpu.memory_space<vmem>> -> memref<128xi32, #tpu.memory_space<vmem>>
    %dma_wait3A_309 = arith.constant 0 : i32
    %dma_wait3A_310 = arith.constant 0 : i32
    %dma_wait3A_311 = tpu.memref_slice %arg9[%dma_wait3A_309, %dma_wait3A_310] : memref<50000x128xf32, #tpu.memory_space<hbm>> -> memref<50000x128xf32, #tpu.memory_space<hbm>>
    tpu.wait_indirect_dma semaphore(%arg24 : memref<!tpu.dma_semaphore, #tpu.memory_space<semaphore_mem>>) src(%dma_wait3A_311 : memref<50000x128xf32, #tpu.memory_space<hbm>>) dst(%dma_wait3A_301 : memref<128x128xf32, #tpu.memory_space<vmem>>)
    %add3A_312 = arith.constant 256 : i32
    %add3A_313 = arith.addi %mul3A_2, %add3A_312 : i32
    "tpu.region"() ({
      %run_scoped3A_750 = tpu.sem_alloc : memref<!tpu.dma_semaphore, #tpu.memory_space<semaphore_mem>>
      %dma_start3A_751 = arith.constant 0 : i32
      %dma_start3A_752 = tpu.memref_slice %arg15[%add3A_313, %dma_start3A_751] : memref<16384x128xf32, #tpu.memory_space<hbm>> -> memref<256x128xf32, #tpu.memory_space<hbm>>
      %dma_start3A_753 = arith.constant 0 : i32
      %dma_start3A_754 = tpu.memref_slice %arg15[%add3A_313, %dma_start3A_753] : memref<16384x128xf32, #tpu.memory_space<hbm>> -> memref<256x128xf32, #tpu.memory_space<hbm>>
      tpu.enqueue_dma source(%arg21 : memref<256x128xf32, #tpu.memory_space<vmem>>) target(%dma_start3A_754 : memref<256x128xf32, #tpu.memory_space<hbm>>) target_semaphore(%run_scoped3A_750 : memref<!tpu.dma_semaphore, #tpu.memory_space<semaphore_mem>>)
      %dma_wait3A_755 = arith.constant 0 : i32
      %dma_wait3A_756 = tpu.memref_slice %arg15[%add3A_313, %dma_wait3A_755] : memref<16384x128xf32, #tpu.memory_space<hbm>> -> memref<256x128xf32, #tpu.memory_space<hbm>>
      %dma_wait3A_757 = arith.constant 0 : i32
      %dma_wait3A_758 = tpu.memref_slice %arg15[%add3A_313, %dma_wait3A_757] : memref<16384x128xf32, #tpu.memory_space<hbm>> -> memref<256x128xf32, #tpu.memory_space<hbm>>
      tpu.wait_dma2 semaphore(%run_scoped3A_750 : memref<!tpu.dma_semaphore, #tpu.memory_space<semaphore_mem>>) src(%arg21 : memref<256x128xf32, #tpu.memory_space<vmem>>) dst(%dma_wait3A_758 : memref<256x128xf32, #tpu.memory_space<hbm>>)
      tpu.yield
    }) : () -> ()
    %dma_start3A_314 = arith.constant 3 : i32
    %dma_start3A_315 = arith.constant 0 : i32
    %dma_start3A_316 = arith.constant 0 : i32
    %dma_start3A_317 = arith.constant 0 : i32
    %dma_start3A_318 = tpu.memref_slice %arg21[%dma_start3A_316, %dma_start3A_317] : memref<256x128xf32, #tpu.memory_space<vmem>> -> memref<128x128xf32, #tpu.memory_space<vmem>>
    %dma_start3A_319 = arith.constant 0 : i32
    %dma_start3A_320 = arith.constant 0 : i32
    %dma_start3A_321 = tpu.memref_slice %arg20[%dma_start3A_314, %dma_start3A_319, %dma_start3A_320] : memref<6x4x128xi32, #tpu.memory_space<vmem>> -> memref<1x4x128xi32, #tpu.memory_space<vmem>>
    %dma_start3A_322 = tpu.memref_squeeze %dma_start3A_321 : memref<1x4x128xi32, #tpu.memory_space<vmem>> -> memref<4x128xi32, #tpu.memory_space<vmem>>
    %dma_start3A_323 = arith.constant 0 : i32
    %dma_start3A_324 = tpu.memref_slice %dma_start3A_322[%dma_start3A_315, %dma_start3A_323] : memref<4x128xi32, #tpu.memory_space<vmem>> -> memref<1x128xi32, #tpu.memory_space<vmem>>
    %dma_start3A_325 = tpu.memref_squeeze %dma_start3A_324 : memref<1x128xi32, #tpu.memory_space<vmem>> -> memref<128xi32, #tpu.memory_space<vmem>>
    %dma_start3A_326 = arith.constant 0 : i32
    %dma_start3A_327 = arith.constant 0 : i32
    %dma_start3A_328 = tpu.memref_slice %arg11[%dma_start3A_326, %dma_start3A_327] : memref<25000x128xf32, #tpu.memory_space<hbm>> -> memref<25000x128xf32, #tpu.memory_space<hbm>>
    tpu.enqueue_indirect_dma source(%dma_start3A_328 : memref<25000x128xf32, #tpu.memory_space<hbm>>) target(%dma_start3A_318 : memref<128x128xf32, #tpu.memory_space<vmem>>) offsets(%dma_start3A_325 : memref<128xi32, #tpu.memory_space<vmem>>) semaphore(%arg24 : memref<!tpu.dma_semaphore, #tpu.memory_space<semaphore_mem>>)
    %dma_start3A_329 = arith.constant 3 : i32
    %dma_start3A_330 = arith.constant 1 : i32
    %dma_start3A_331 = arith.constant 128 : i32
    %dma_start3A_332 = arith.constant 0 : i32
    %dma_start3A_333 = tpu.memref_slice %arg21[%dma_start3A_331, %dma_start3A_332] : memref<256x128xf32, #tpu.memory_space<vmem>> -> memref<128x128xf32, #tpu.memory_space<vmem>>
    %dma_start3A_334 = arith.constant 0 : i32
    %dma_start3A_335 = arith.constant 0 : i32
    %dma_start3A_336 = tpu.memref_slice %arg20[%dma_start3A_329, %dma_start3A_334, %dma_start3A_335] : memref<6x4x128xi32, #tpu.memory_space<vmem>> -> memref<1x4x128xi32, #tpu.memory_space<vmem>>
    %dma_start3A_337 = tpu.memref_squeeze %dma_start3A_336 : memref<1x4x128xi32, #tpu.memory_space<vmem>> -> memref<4x128xi32, #tpu.memory_space<vmem>>
    %dma_start3A_338 = arith.constant 0 : i32
    %dma_start3A_339 = tpu.memref_slice %dma_start3A_337[%dma_start3A_330, %dma_start3A_338] : memref<4x128xi32, #tpu.memory_space<vmem>> -> memref<1x128xi32, #tpu.memory_space<vmem>>
    %dma_start3A_340 = tpu.memref_squeeze %dma_start3A_339 : memref<1x128xi32, #tpu.memory_space<vmem>> -> memref<128xi32, #tpu.memory_space<vmem>>
    %dma_start3A_341 = arith.constant 0 : i32
    %dma_start3A_342 = arith.constant 0 : i32
    %dma_start3A_343 = tpu.memref_slice %arg11[%dma_start3A_341, %dma_start3A_342] : memref<25000x128xf32, #tpu.memory_space<hbm>> -> memref<25000x128xf32, #tpu.memory_space<hbm>>
    tpu.enqueue_indirect_dma source(%dma_start3A_343 : memref<25000x128xf32, #tpu.memory_space<hbm>>) target(%dma_start3A_333 : memref<128x128xf32, #tpu.memory_space<vmem>>) offsets(%dma_start3A_340 : memref<128xi32, #tpu.memory_space<vmem>>) semaphore(%arg24 : memref<!tpu.dma_semaphore, #tpu.memory_space<semaphore_mem>>)
    %dma_wait3A_344 = arith.constant 2 : i32
    %dma_wait3A_345 = arith.constant 0 : i32
    %dma_wait3A_346 = arith.constant 0 : i32
    %dma_wait3A_347 = arith.constant 0 : i32
    %dma_wait3A_348 = tpu.memref_slice %arg22[%dma_wait3A_346, %dma_wait3A_347] : memref<256x128xf32, #tpu.memory_space<vmem>> -> memref<128x128xf32, #tpu.memory_space<vmem>>
    %dma_wait3A_349 = arith.constant 0 : i32
    %dma_wait3A_350 = arith.constant 0 : i32
    %dma_wait3A_351 = tpu.memref_slice %arg20[%dma_wait3A_344, %dma_wait3A_349, %dma_wait3A_350] : memref<6x4x128xi32, #tpu.memory_space<vmem>> -> memref<1x4x128xi32, #tpu.memory_space<vmem>>
    %dma_wait3A_352 = tpu.memref_squeeze %dma_wait3A_351 : memref<1x4x128xi32, #tpu.memory_space<vmem>> -> memref<4x128xi32, #tpu.memory_space<vmem>>
    %dma_wait3A_353 = arith.constant 0 : i32
    %dma_wait3A_354 = tpu.memref_slice %dma_wait3A_352[%dma_wait3A_345, %dma_wait3A_353] : memref<4x128xi32, #tpu.memory_space<vmem>> -> memref<1x128xi32, #tpu.memory_space<vmem>>
    %dma_wait3A_355 = tpu.memref_squeeze %dma_wait3A_354 : memref<1x128xi32, #tpu.memory_space<vmem>> -> memref<128xi32, #tpu.memory_space<vmem>>
    %dma_wait3A_356 = arith.constant 0 : i32
    %dma_wait3A_357 = arith.constant 0 : i32
    %dma_wait3A_358 = tpu.memref_slice %arg10[%dma_wait3A_356, %dma_wait3A_357] : memref<50000x128xf32, #tpu.memory_space<hbm>> -> memref<50000x128xf32, #tpu.memory_space<hbm>>
    tpu.wait_indirect_dma semaphore(%arg25 : memref<!tpu.dma_semaphore, #tpu.memory_space<semaphore_mem>>) src(%dma_wait3A_358 : memref<50000x128xf32, #tpu.memory_space<hbm>>) dst(%dma_wait3A_348 : memref<128x128xf32, #tpu.memory_space<vmem>>)
    %dma_wait3A_359 = arith.constant 2 : i32
    %dma_wait3A_360 = arith.constant 1 : i32
    %dma_wait3A_361 = arith.constant 128 : i32
    %dma_wait3A_362 = arith.constant 0 : i32
    %dma_wait3A_363 = tpu.memref_slice %arg22[%dma_wait3A_361, %dma_wait3A_362] : memref<256x128xf32, #tpu.memory_space<vmem>> -> memref<128x128xf32, #tpu.memory_space<vmem>>
    %dma_wait3A_364 = arith.constant 0 : i32
    %dma_wait3A_365 = arith.constant 0 : i32
    %dma_wait3A_366 = tpu.memref_slice %arg20[%dma_wait3A_359, %dma_wait3A_364, %dma_wait3A_365] : memref<6x4x128xi32, #tpu.memory_space<vmem>> -> memref<1x4x128xi32, #tpu.memory_space<vmem>>
    %dma_wait3A_367 = tpu.memref_squeeze %dma_wait3A_366 : memref<1x4x128xi32, #tpu.memory_space<vmem>> -> memref<4x128xi32, #tpu.memory_space<vmem>>
    %dma_wait3A_368 = arith.constant 0 : i32
    %dma_wait3A_369 = tpu.memref_slice %dma_wait3A_367[%dma_wait3A_360, %dma_wait3A_368] : memref<4x128xi32, #tpu.memory_space<vmem>> -> memref<1x128xi32, #tpu.memory_space<vmem>>
    %dma_wait3A_370 = tpu.memref_squeeze %dma_wait3A_369 : memref<1x128xi32, #tpu.memory_space<vmem>> -> memref<128xi32, #tpu.memory_space<vmem>>
    %dma_wait3A_371 = arith.constant 0 : i32
    %dma_wait3A_372 = arith.constant 0 : i32
    %dma_wait3A_373 = tpu.memref_slice %arg10[%dma_wait3A_371, %dma_wait3A_372] : memref<50000x128xf32, #tpu.memory_space<hbm>> -> memref<50000x128xf32, #tpu.memory_space<hbm>>
    tpu.wait_indirect_dma semaphore(%arg25 : memref<!tpu.dma_semaphore, #tpu.memory_space<semaphore_mem>>) src(%dma_wait3A_373 : memref<50000x128xf32, #tpu.memory_space<hbm>>) dst(%dma_wait3A_363 : memref<128x128xf32, #tpu.memory_space<vmem>>)
    %add3A_374 = arith.constant 0 : i32
    %add3A_375 = arith.addi %mul3A_2, %add3A_374 : i32
    "tpu.region"() ({
      %run_scoped3A_750 = tpu.sem_alloc : memref<!tpu.dma_semaphore, #tpu.memory_space<semaphore_mem>>
      %dma_start3A_751 = arith.constant 0 : i32
      %dma_start3A_752 = tpu.memref_slice %arg16[%add3A_375, %dma_start3A_751] : memref<16384x128xf32, #tpu.memory_space<hbm>> -> memref<256x128xf32, #tpu.memory_space<hbm>>
      %dma_start3A_753 = arith.constant 0 : i32
      %dma_start3A_754 = tpu.memref_slice %arg16[%add3A_375, %dma_start3A_753] : memref<16384x128xf32, #tpu.memory_space<hbm>> -> memref<256x128xf32, #tpu.memory_space<hbm>>
      tpu.enqueue_dma source(%arg22 : memref<256x128xf32, #tpu.memory_space<vmem>>) target(%dma_start3A_754 : memref<256x128xf32, #tpu.memory_space<hbm>>) target_semaphore(%run_scoped3A_750 : memref<!tpu.dma_semaphore, #tpu.memory_space<semaphore_mem>>)
      %dma_wait3A_755 = arith.constant 0 : i32
      %dma_wait3A_756 = tpu.memref_slice %arg16[%add3A_375, %dma_wait3A_755] : memref<16384x128xf32, #tpu.memory_space<hbm>> -> memref<256x128xf32, #tpu.memory_space<hbm>>
      %dma_wait3A_757 = arith.constant 0 : i32
      %dma_wait3A_758 = tpu.memref_slice %arg16[%add3A_375, %dma_wait3A_757] : memref<16384x128xf32, #tpu.memory_space<hbm>> -> memref<256x128xf32, #tpu.memory_space<hbm>>
      tpu.wait_dma2 semaphore(%run_scoped3A_750 : memref<!tpu.dma_semaphore, #tpu.memory_space<semaphore_mem>>) src(%arg22 : memref<256x128xf32, #tpu.memory_space<vmem>>) dst(%dma_wait3A_758 : memref<256x128xf32, #tpu.memory_space<hbm>>)
      tpu.yield
    }) : () -> ()
    %dma_start3A_376 = arith.constant 3 : i32
    %dma_start3A_377 = arith.constant 2 : i32
    %dma_start3A_378 = arith.constant 0 : i32
    %dma_start3A_379 = arith.constant 0 : i32
    %dma_start3A_380 = tpu.memref_slice %arg22[%dma_start3A_378, %dma_start3A_379] : memref<256x128xf32, #tpu.memory_space<vmem>> -> memref<128x128xf32, #tpu.memory_space<vmem>>
    %dma_start3A_381 = arith.constant 0 : i32
    %dma_start3A_382 = arith.constant 0 : i32
    %dma_start3A_383 = tpu.memref_slice %arg20[%dma_start3A_376, %dma_start3A_381, %dma_start3A_382] : memref<6x4x128xi32, #tpu.memory_space<vmem>> -> memref<1x4x128xi32, #tpu.memory_space<vmem>>
    %dma_start3A_384 = tpu.memref_squeeze %dma_start3A_383 : memref<1x4x128xi32, #tpu.memory_space<vmem>> -> memref<4x128xi32, #tpu.memory_space<vmem>>
    %dma_start3A_385 = arith.constant 0 : i32
    %dma_start3A_386 = tpu.memref_slice %dma_start3A_384[%dma_start3A_377, %dma_start3A_385] : memref<4x128xi32, #tpu.memory_space<vmem>> -> memref<1x128xi32, #tpu.memory_space<vmem>>
    %dma_start3A_387 = tpu.memref_squeeze %dma_start3A_386 : memref<1x128xi32, #tpu.memory_space<vmem>> -> memref<128xi32, #tpu.memory_space<vmem>>
    %dma_start3A_388 = arith.constant 0 : i32
    %dma_start3A_389 = arith.constant 0 : i32
    %dma_start3A_390 = tpu.memref_slice %arg11[%dma_start3A_388, %dma_start3A_389] : memref<25000x128xf32, #tpu.memory_space<hbm>> -> memref<25000x128xf32, #tpu.memory_space<hbm>>
    tpu.enqueue_indirect_dma source(%dma_start3A_390 : memref<25000x128xf32, #tpu.memory_space<hbm>>) target(%dma_start3A_380 : memref<128x128xf32, #tpu.memory_space<vmem>>) offsets(%dma_start3A_387 : memref<128xi32, #tpu.memory_space<vmem>>) semaphore(%arg25 : memref<!tpu.dma_semaphore, #tpu.memory_space<semaphore_mem>>)
    %dma_start3A_391 = arith.constant 3 : i32
    %dma_start3A_392 = arith.constant 3 : i32
    %dma_start3A_393 = arith.constant 128 : i32
    %dma_start3A_394 = arith.constant 0 : i32
    %dma_start3A_395 = tpu.memref_slice %arg22[%dma_start3A_393, %dma_start3A_394] : memref<256x128xf32, #tpu.memory_space<vmem>> -> memref<128x128xf32, #tpu.memory_space<vmem>>
    %dma_start3A_396 = arith.constant 0 : i32
    %dma_start3A_397 = arith.constant 0 : i32
    %dma_start3A_398 = tpu.memref_slice %arg20[%dma_start3A_391, %dma_start3A_396, %dma_start3A_397] : memref<6x4x128xi32, #tpu.memory_space<vmem>> -> memref<1x4x128xi32, #tpu.memory_space<vmem>>
    %dma_start3A_399 = tpu.memref_squeeze %dma_start3A_398 : memref<1x4x128xi32, #tpu.memory_space<vmem>> -> memref<4x128xi32, #tpu.memory_space<vmem>>
    %dma_start3A_400 = arith.constant 0 : i32
    %dma_start3A_401 = tpu.memref_slice %dma_start3A_399[%dma_start3A_392, %dma_start3A_400] : memref<4x128xi32, #tpu.memory_space<vmem>> -> memref<1x128xi32, #tpu.memory_space<vmem>>
    %dma_start3A_402 = tpu.memref_squeeze %dma_start3A_401 : memref<1x128xi32, #tpu.memory_space<vmem>> -> memref<128xi32, #tpu.memory_space<vmem>>
    %dma_start3A_403 = arith.constant 0 : i32
    %dma_start3A_404 = arith.constant 0 : i32
    %dma_start3A_405 = tpu.memref_slice %arg11[%dma_start3A_403, %dma_start3A_404] : memref<25000x128xf32, #tpu.memory_space<hbm>> -> memref<25000x128xf32, #tpu.memory_space<hbm>>
    tpu.enqueue_indirect_dma source(%dma_start3A_405 : memref<25000x128xf32, #tpu.memory_space<hbm>>) target(%dma_start3A_395 : memref<128x128xf32, #tpu.memory_space<vmem>>) offsets(%dma_start3A_402 : memref<128xi32, #tpu.memory_space<vmem>>) semaphore(%arg25 : memref<!tpu.dma_semaphore, #tpu.memory_space<semaphore_mem>>)
    %dma_wait3A_406 = arith.constant 2 : i32
    %dma_wait3A_407 = arith.constant 2 : i32
    %dma_wait3A_408 = arith.constant 0 : i32
    %dma_wait3A_409 = arith.constant 0 : i32
    %dma_wait3A_410 = tpu.memref_slice %arg23[%dma_wait3A_408, %dma_wait3A_409] : memref<256x128xf32, #tpu.memory_space<vmem>> -> memref<128x128xf32, #tpu.memory_space<vmem>>
    %dma_wait3A_411 = arith.constant 0 : i32
    %dma_wait3A_412 = arith.constant 0 : i32
    %dma_wait3A_413 = tpu.memref_slice %arg20[%dma_wait3A_406, %dma_wait3A_411, %dma_wait3A_412] : memref<6x4x128xi32, #tpu.memory_space<vmem>> -> memref<1x4x128xi32, #tpu.memory_space<vmem>>
    %dma_wait3A_414 = tpu.memref_squeeze %dma_wait3A_413 : memref<1x4x128xi32, #tpu.memory_space<vmem>> -> memref<4x128xi32, #tpu.memory_space<vmem>>
    %dma_wait3A_415 = arith.constant 0 : i32
    %dma_wait3A_416 = tpu.memref_slice %dma_wait3A_414[%dma_wait3A_407, %dma_wait3A_415] : memref<4x128xi32, #tpu.memory_space<vmem>> -> memref<1x128xi32, #tpu.memory_space<vmem>>
    %dma_wait3A_417 = tpu.memref_squeeze %dma_wait3A_416 : memref<1x128xi32, #tpu.memory_space<vmem>> -> memref<128xi32, #tpu.memory_space<vmem>>
    %dma_wait3A_418 = arith.constant 0 : i32
    %dma_wait3A_419 = arith.constant 0 : i32
    %dma_wait3A_420 = tpu.memref_slice %arg10[%dma_wait3A_418, %dma_wait3A_419] : memref<50000x128xf32, #tpu.memory_space<hbm>> -> memref<50000x128xf32, #tpu.memory_space<hbm>>
    tpu.wait_indirect_dma semaphore(%arg26 : memref<!tpu.dma_semaphore, #tpu.memory_space<semaphore_mem>>) src(%dma_wait3A_420 : memref<50000x128xf32, #tpu.memory_space<hbm>>) dst(%dma_wait3A_410 : memref<128x128xf32, #tpu.memory_space<vmem>>)
    %dma_wait3A_421 = arith.constant 2 : i32
    %dma_wait3A_422 = arith.constant 3 : i32
    %dma_wait3A_423 = arith.constant 128 : i32
    %dma_wait3A_424 = arith.constant 0 : i32
    %dma_wait3A_425 = tpu.memref_slice %arg23[%dma_wait3A_423, %dma_wait3A_424] : memref<256x128xf32, #tpu.memory_space<vmem>> -> memref<128x128xf32, #tpu.memory_space<vmem>>
    %dma_wait3A_426 = arith.constant 0 : i32
    %dma_wait3A_427 = arith.constant 0 : i32
    %dma_wait3A_428 = tpu.memref_slice %arg20[%dma_wait3A_421, %dma_wait3A_426, %dma_wait3A_427] : memref<6x4x128xi32, #tpu.memory_space<vmem>> -> memref<1x4x128xi32, #tpu.memory_space<vmem>>
    %dma_wait3A_429 = tpu.memref_squeeze %dma_wait3A_428 : memref<1x4x128xi32, #tpu.memory_space<vmem>> -> memref<4x128xi32, #tpu.memory_space<vmem>>
    %dma_wait3A_430 = arith.constant 0 : i32
    %dma_wait3A_431 = tpu.memref_slice %dma_wait3A_429[%dma_wait3A_422, %dma_wait3A_430] : memref<4x128xi32, #tpu.memory_space<vmem>> -> memref<1x128xi32, #tpu.memory_space<vmem>>
    %dma_wait3A_432 = tpu.memref_squeeze %dma_wait3A_431 : memref<1x128xi32, #tpu.memory_space<vmem>> -> memref<128xi32, #tpu.memory_space<vmem>>
    %dma_wait3A_433 = arith.constant 0 : i32
    %dma_wait3A_434 = arith.constant 0 : i32
    %dma_wait3A_435 = tpu.memref_slice %arg10[%dma_wait3A_433, %dma_wait3A_434] : memref<50000x128xf32, #tpu.memory_space<hbm>> -> memref<50000x128xf32, #tpu.memory_space<hbm>>
    tpu.wait_indirect_dma semaphore(%arg26 : memref<!tpu.dma_semaphore, #tpu.memory_space<semaphore_mem>>) src(%dma_wait3A_435 : memref<50000x128xf32, #tpu.memory_space<hbm>>) dst(%dma_wait3A_425 : memref<128x128xf32, #tpu.memory_space<vmem>>)
    %add3A_436 = arith.constant 256 : i32
    %add3A_437 = arith.addi %mul3A_2, %add3A_436 : i32
    "tpu.region"() ({
      %run_scoped3A_750 = tpu.sem_alloc : memref<!tpu.dma_semaphore, #tpu.memory_space<semaphore_mem>>
      %dma_start3A_751 = arith.constant 0 : i32
      %dma_start3A_752 = tpu.memref_slice %arg16[%add3A_437, %dma_start3A_751] : memref<16384x128xf32, #tpu.memory_space<hbm>> -> memref<256x128xf32, #tpu.memory_space<hbm>>
      %dma_start3A_753 = arith.constant 0 : i32
      %dma_start3A_754 = tpu.memref_slice %arg16[%add3A_437, %dma_start3A_753] : memref<16384x128xf32, #tpu.memory_space<hbm>> -> memref<256x128xf32, #tpu.memory_space<hbm>>
      tpu.enqueue_dma source(%arg23 : memref<256x128xf32, #tpu.memory_space<vmem>>) target(%dma_start3A_754 : memref<256x128xf32, #tpu.memory_space<hbm>>) target_semaphore(%run_scoped3A_750 : memref<!tpu.dma_semaphore, #tpu.memory_space<semaphore_mem>>)
      %dma_wait3A_755 = arith.constant 0 : i32
      %dma_wait3A_756 = tpu.memref_slice %arg16[%add3A_437, %dma_wait3A_755] : memref<16384x128xf32, #tpu.memory_space<hbm>> -> memref<256x128xf32, #tpu.memory_space<hbm>>
      %dma_wait3A_757 = arith.constant 0 : i32
      %dma_wait3A_758 = tpu.memref_slice %arg16[%add3A_437, %dma_wait3A_757] : memref<16384x128xf32, #tpu.memory_space<hbm>> -> memref<256x128xf32, #tpu.memory_space<hbm>>
      tpu.wait_dma2 semaphore(%run_scoped3A_750 : memref<!tpu.dma_semaphore, #tpu.memory_space<semaphore_mem>>) src(%arg23 : memref<256x128xf32, #tpu.memory_space<vmem>>) dst(%dma_wait3A_758 : memref<256x128xf32, #tpu.memory_space<hbm>>)
      tpu.yield
    }) : () -> ()
    %dma_start3A_438 = arith.constant 4 : i32
    %dma_start3A_439 = arith.constant 0 : i32
    %dma_start3A_440 = arith.constant 0 : i32
    %dma_start3A_441 = arith.constant 0 : i32
    %dma_start3A_442 = tpu.memref_slice %arg23[%dma_start3A_440, %dma_start3A_441] : memref<256x128xf32, #tpu.memory_space<vmem>> -> memref<128x128xf32, #tpu.memory_space<vmem>>
    %dma_start3A_443 = arith.constant 0 : i32
    %dma_start3A_444 = arith.constant 0 : i32
    %dma_start3A_445 = tpu.memref_slice %arg20[%dma_start3A_438, %dma_start3A_443, %dma_start3A_444] : memref<6x4x128xi32, #tpu.memory_space<vmem>> -> memref<1x4x128xi32, #tpu.memory_space<vmem>>
    %dma_start3A_446 = tpu.memref_squeeze %dma_start3A_445 : memref<1x4x128xi32, #tpu.memory_space<vmem>> -> memref<4x128xi32, #tpu.memory_space<vmem>>
    %dma_start3A_447 = arith.constant 0 : i32
    %dma_start3A_448 = tpu.memref_slice %dma_start3A_446[%dma_start3A_439, %dma_start3A_447] : memref<4x128xi32, #tpu.memory_space<vmem>> -> memref<1x128xi32, #tpu.memory_space<vmem>>
    %dma_start3A_449 = tpu.memref_squeeze %dma_start3A_448 : memref<1x128xi32, #tpu.memory_space<vmem>> -> memref<128xi32, #tpu.memory_space<vmem>>
    %dma_start3A_450 = arith.constant 0 : i32
    %dma_start3A_451 = arith.constant 0 : i32
    %dma_start3A_452 = tpu.memref_slice %arg12[%dma_start3A_450, %dma_start3A_451] : memref<25000x128xf32, #tpu.memory_space<hbm>> -> memref<25000x128xf32, #tpu.memory_space<hbm>>
    tpu.enqueue_indirect_dma source(%dma_start3A_452 : memref<25000x128xf32, #tpu.memory_space<hbm>>) target(%dma_start3A_442 : memref<128x128xf32, #tpu.memory_space<vmem>>) offsets(%dma_start3A_449 : memref<128xi32, #tpu.memory_space<vmem>>) semaphore(%arg26 : memref<!tpu.dma_semaphore, #tpu.memory_space<semaphore_mem>>)
    %dma_start3A_453 = arith.constant 4 : i32
    %dma_start3A_454 = arith.constant 1 : i32
    %dma_start3A_455 = arith.constant 128 : i32
    %dma_start3A_456 = arith.constant 0 : i32
    %dma_start3A_457 = tpu.memref_slice %arg23[%dma_start3A_455, %dma_start3A_456] : memref<256x128xf32, #tpu.memory_space<vmem>> -> memref<128x128xf32, #tpu.memory_space<vmem>>
    %dma_start3A_458 = arith.constant 0 : i32
    %dma_start3A_459 = arith.constant 0 : i32
    %dma_start3A_460 = tpu.memref_slice %arg20[%dma_start3A_453, %dma_start3A_458, %dma_start3A_459] : memref<6x4x128xi32, #tpu.memory_space<vmem>> -> memref<1x4x128xi32, #tpu.memory_space<vmem>>
    %dma_start3A_461 = tpu.memref_squeeze %dma_start3A_460 : memref<1x4x128xi32, #tpu.memory_space<vmem>> -> memref<4x128xi32, #tpu.memory_space<vmem>>
    %dma_start3A_462 = arith.constant 0 : i32
    %dma_start3A_463 = tpu.memref_slice %dma_start3A_461[%dma_start3A_454, %dma_start3A_462] : memref<4x128xi32, #tpu.memory_space<vmem>> -> memref<1x128xi32, #tpu.memory_space<vmem>>
    %dma_start3A_464 = tpu.memref_squeeze %dma_start3A_463 : memref<1x128xi32, #tpu.memory_space<vmem>> -> memref<128xi32, #tpu.memory_space<vmem>>
    %dma_start3A_465 = arith.constant 0 : i32
    %dma_start3A_466 = arith.constant 0 : i32
    %dma_start3A_467 = tpu.memref_slice %arg12[%dma_start3A_465, %dma_start3A_466] : memref<25000x128xf32, #tpu.memory_space<hbm>> -> memref<25000x128xf32, #tpu.memory_space<hbm>>
    tpu.enqueue_indirect_dma source(%dma_start3A_467 : memref<25000x128xf32, #tpu.memory_space<hbm>>) target(%dma_start3A_457 : memref<128x128xf32, #tpu.memory_space<vmem>>) offsets(%dma_start3A_464 : memref<128xi32, #tpu.memory_space<vmem>>) semaphore(%arg26 : memref<!tpu.dma_semaphore, #tpu.memory_space<semaphore_mem>>)
    %dma_wait3A_468 = arith.constant 3 : i32
    %dma_wait3A_469 = arith.constant 0 : i32
    %dma_wait3A_470 = arith.constant 0 : i32
    %dma_wait3A_471 = arith.constant 0 : i32
    %dma_wait3A_472 = tpu.memref_slice %arg21[%dma_wait3A_470, %dma_wait3A_471] : memref<256x128xf32, #tpu.memory_space<vmem>> -> memref<128x128xf32, #tpu.memory_space<vmem>>
    %dma_wait3A_473 = arith.constant 0 : i32
    %dma_wait3A_474 = arith.constant 0 : i32
    %dma_wait3A_475 = tpu.memref_slice %arg20[%dma_wait3A_468, %dma_wait3A_473, %dma_wait3A_474] : memref<6x4x128xi32, #tpu.memory_space<vmem>> -> memref<1x4x128xi32, #tpu.memory_space<vmem>>
    %dma_wait3A_476 = tpu.memref_squeeze %dma_wait3A_475 : memref<1x4x128xi32, #tpu.memory_space<vmem>> -> memref<4x128xi32, #tpu.memory_space<vmem>>
    %dma_wait3A_477 = arith.constant 0 : i32
    %dma_wait3A_478 = tpu.memref_slice %dma_wait3A_476[%dma_wait3A_469, %dma_wait3A_477] : memref<4x128xi32, #tpu.memory_space<vmem>> -> memref<1x128xi32, #tpu.memory_space<vmem>>
    %dma_wait3A_479 = tpu.memref_squeeze %dma_wait3A_478 : memref<1x128xi32, #tpu.memory_space<vmem>> -> memref<128xi32, #tpu.memory_space<vmem>>
    %dma_wait3A_480 = arith.constant 0 : i32
    %dma_wait3A_481 = arith.constant 0 : i32
    %dma_wait3A_482 = tpu.memref_slice %arg11[%dma_wait3A_480, %dma_wait3A_481] : memref<25000x128xf32, #tpu.memory_space<hbm>> -> memref<25000x128xf32, #tpu.memory_space<hbm>>
    tpu.wait_indirect_dma semaphore(%arg24 : memref<!tpu.dma_semaphore, #tpu.memory_space<semaphore_mem>>) src(%dma_wait3A_482 : memref<25000x128xf32, #tpu.memory_space<hbm>>) dst(%dma_wait3A_472 : memref<128x128xf32, #tpu.memory_space<vmem>>)
    %dma_wait3A_483 = arith.constant 3 : i32
    %dma_wait3A_484 = arith.constant 1 : i32
    %dma_wait3A_485 = arith.constant 128 : i32
    %dma_wait3A_486 = arith.constant 0 : i32
    %dma_wait3A_487 = tpu.memref_slice %arg21[%dma_wait3A_485, %dma_wait3A_486] : memref<256x128xf32, #tpu.memory_space<vmem>> -> memref<128x128xf32, #tpu.memory_space<vmem>>
    %dma_wait3A_488 = arith.constant 0 : i32
    %dma_wait3A_489 = arith.constant 0 : i32
    %dma_wait3A_490 = tpu.memref_slice %arg20[%dma_wait3A_483, %dma_wait3A_488, %dma_wait3A_489] : memref<6x4x128xi32, #tpu.memory_space<vmem>> -> memref<1x4x128xi32, #tpu.memory_space<vmem>>
    %dma_wait3A_491 = tpu.memref_squeeze %dma_wait3A_490 : memref<1x4x128xi32, #tpu.memory_space<vmem>> -> memref<4x128xi32, #tpu.memory_space<vmem>>
    %dma_wait3A_492 = arith.constant 0 : i32
    %dma_wait3A_493 = tpu.memref_slice %dma_wait3A_491[%dma_wait3A_484, %dma_wait3A_492] : memref<4x128xi32, #tpu.memory_space<vmem>> -> memref<1x128xi32, #tpu.memory_space<vmem>>
    %dma_wait3A_494 = tpu.memref_squeeze %dma_wait3A_493 : memref<1x128xi32, #tpu.memory_space<vmem>> -> memref<128xi32, #tpu.memory_space<vmem>>
    %dma_wait3A_495 = arith.constant 0 : i32
    %dma_wait3A_496 = arith.constant 0 : i32
    %dma_wait3A_497 = tpu.memref_slice %arg11[%dma_wait3A_495, %dma_wait3A_496] : memref<25000x128xf32, #tpu.memory_space<hbm>> -> memref<25000x128xf32, #tpu.memory_space<hbm>>
    tpu.wait_indirect_dma semaphore(%arg24 : memref<!tpu.dma_semaphore, #tpu.memory_space<semaphore_mem>>) src(%dma_wait3A_497 : memref<25000x128xf32, #tpu.memory_space<hbm>>) dst(%dma_wait3A_487 : memref<128x128xf32, #tpu.memory_space<vmem>>)
    %add3A_498 = arith.constant 0 : i32
    %add3A_499 = arith.addi %mul3A_2, %add3A_498 : i32
    "tpu.region"() ({
      %run_scoped3A_750 = tpu.sem_alloc : memref<!tpu.dma_semaphore, #tpu.memory_space<semaphore_mem>>
      %dma_start3A_751 = arith.constant 0 : i32
      %dma_start3A_752 = tpu.memref_slice %arg17[%add3A_499, %dma_start3A_751] : memref<16384x128xf32, #tpu.memory_space<hbm>> -> memref<256x128xf32, #tpu.memory_space<hbm>>
      %dma_start3A_753 = arith.constant 0 : i32
      %dma_start3A_754 = tpu.memref_slice %arg17[%add3A_499, %dma_start3A_753] : memref<16384x128xf32, #tpu.memory_space<hbm>> -> memref<256x128xf32, #tpu.memory_space<hbm>>
      tpu.enqueue_dma source(%arg21 : memref<256x128xf32, #tpu.memory_space<vmem>>) target(%dma_start3A_754 : memref<256x128xf32, #tpu.memory_space<hbm>>) target_semaphore(%run_scoped3A_750 : memref<!tpu.dma_semaphore, #tpu.memory_space<semaphore_mem>>)
      %dma_wait3A_755 = arith.constant 0 : i32
      %dma_wait3A_756 = tpu.memref_slice %arg17[%add3A_499, %dma_wait3A_755] : memref<16384x128xf32, #tpu.memory_space<hbm>> -> memref<256x128xf32, #tpu.memory_space<hbm>>
      %dma_wait3A_757 = arith.constant 0 : i32
      %dma_wait3A_758 = tpu.memref_slice %arg17[%add3A_499, %dma_wait3A_757] : memref<16384x128xf32, #tpu.memory_space<hbm>> -> memref<256x128xf32, #tpu.memory_space<hbm>>
      tpu.wait_dma2 semaphore(%run_scoped3A_750 : memref<!tpu.dma_semaphore, #tpu.memory_space<semaphore_mem>>) src(%arg21 : memref<256x128xf32, #tpu.memory_space<vmem>>) dst(%dma_wait3A_758 : memref<256x128xf32, #tpu.memory_space<hbm>>)
      tpu.yield
    }) : () -> ()
    %dma_start3A_500 = arith.constant 4 : i32
    %dma_start3A_501 = arith.constant 2 : i32
    %dma_start3A_502 = arith.constant 0 : i32
    %dma_start3A_503 = arith.constant 0 : i32
    %dma_start3A_504 = tpu.memref_slice %arg21[%dma_start3A_502, %dma_start3A_503] : memref<256x128xf32, #tpu.memory_space<vmem>> -> memref<128x128xf32, #tpu.memory_space<vmem>>
    %dma_start3A_505 = arith.constant 0 : i32
    %dma_start3A_506 = arith.constant 0 : i32
    %dma_start3A_507 = tpu.memref_slice %arg20[%dma_start3A_500, %dma_start3A_505, %dma_start3A_506] : memref<6x4x128xi32, #tpu.memory_space<vmem>> -> memref<1x4x128xi32, #tpu.memory_space<vmem>>
    %dma_start3A_508 = tpu.memref_squeeze %dma_start3A_507 : memref<1x4x128xi32, #tpu.memory_space<vmem>> -> memref<4x128xi32, #tpu.memory_space<vmem>>
    %dma_start3A_509 = arith.constant 0 : i32
    %dma_start3A_510 = tpu.memref_slice %dma_start3A_508[%dma_start3A_501, %dma_start3A_509] : memref<4x128xi32, #tpu.memory_space<vmem>> -> memref<1x128xi32, #tpu.memory_space<vmem>>
    %dma_start3A_511 = tpu.memref_squeeze %dma_start3A_510 : memref<1x128xi32, #tpu.memory_space<vmem>> -> memref<128xi32, #tpu.memory_space<vmem>>
    %dma_start3A_512 = arith.constant 0 : i32
    %dma_start3A_513 = arith.constant 0 : i32
    %dma_start3A_514 = tpu.memref_slice %arg12[%dma_start3A_512, %dma_start3A_513] : memref<25000x128xf32, #tpu.memory_space<hbm>> -> memref<25000x128xf32, #tpu.memory_space<hbm>>
    tpu.enqueue_indirect_dma source(%dma_start3A_514 : memref<25000x128xf32, #tpu.memory_space<hbm>>) target(%dma_start3A_504 : memref<128x128xf32, #tpu.memory_space<vmem>>) offsets(%dma_start3A_511 : memref<128xi32, #tpu.memory_space<vmem>>) semaphore(%arg24 : memref<!tpu.dma_semaphore, #tpu.memory_space<semaphore_mem>>)
    %dma_start3A_515 = arith.constant 4 : i32
    %dma_start3A_516 = arith.constant 3 : i32
    %dma_start3A_517 = arith.constant 128 : i32
    %dma_start3A_518 = arith.constant 0 : i32
    %dma_start3A_519 = tpu.memref_slice %arg21[%dma_start3A_517, %dma_start3A_518] : memref<256x128xf32, #tpu.memory_space<vmem>> -> memref<128x128xf32, #tpu.memory_space<vmem>>
    %dma_start3A_520 = arith.constant 0 : i32
    %dma_start3A_521 = arith.constant 0 : i32
    %dma_start3A_522 = tpu.memref_slice %arg20[%dma_start3A_515, %dma_start3A_520, %dma_start3A_521] : memref<6x4x128xi32, #tpu.memory_space<vmem>> -> memref<1x4x128xi32, #tpu.memory_space<vmem>>
    %dma_start3A_523 = tpu.memref_squeeze %dma_start3A_522 : memref<1x4x128xi32, #tpu.memory_space<vmem>> -> memref<4x128xi32, #tpu.memory_space<vmem>>
    %dma_start3A_524 = arith.constant 0 : i32
    %dma_start3A_525 = tpu.memref_slice %dma_start3A_523[%dma_start3A_516, %dma_start3A_524] : memref<4x128xi32, #tpu.memory_space<vmem>> -> memref<1x128xi32, #tpu.memory_space<vmem>>
    %dma_start3A_526 = tpu.memref_squeeze %dma_start3A_525 : memref<1x128xi32, #tpu.memory_space<vmem>> -> memref<128xi32, #tpu.memory_space<vmem>>
    %dma_start3A_527 = arith.constant 0 : i32
    %dma_start3A_528 = arith.constant 0 : i32
    %dma_start3A_529 = tpu.memref_slice %arg12[%dma_start3A_527, %dma_start3A_528] : memref<25000x128xf32, #tpu.memory_space<hbm>> -> memref<25000x128xf32, #tpu.memory_space<hbm>>
    tpu.enqueue_indirect_dma source(%dma_start3A_529 : memref<25000x128xf32, #tpu.memory_space<hbm>>) target(%dma_start3A_519 : memref<128x128xf32, #tpu.memory_space<vmem>>) offsets(%dma_start3A_526 : memref<128xi32, #tpu.memory_space<vmem>>) semaphore(%arg24 : memref<!tpu.dma_semaphore, #tpu.memory_space<semaphore_mem>>)
    %dma_wait3A_530 = arith.constant 3 : i32
    %dma_wait3A_531 = arith.constant 2 : i32
    %dma_wait3A_532 = arith.constant 0 : i32
    %dma_wait3A_533 = arith.constant 0 : i32
    %dma_wait3A_534 = tpu.memref_slice %arg22[%dma_wait3A_532, %dma_wait3A_533] : memref<256x128xf32, #tpu.memory_space<vmem>> -> memref<128x128xf32, #tpu.memory_space<vmem>>
    %dma_wait3A_535 = arith.constant 0 : i32
    %dma_wait3A_536 = arith.constant 0 : i32
    %dma_wait3A_537 = tpu.memref_slice %arg20[%dma_wait3A_530, %dma_wait3A_535, %dma_wait3A_536] : memref<6x4x128xi32, #tpu.memory_space<vmem>> -> memref<1x4x128xi32, #tpu.memory_space<vmem>>
    %dma_wait3A_538 = tpu.memref_squeeze %dma_wait3A_537 : memref<1x4x128xi32, #tpu.memory_space<vmem>> -> memref<4x128xi32, #tpu.memory_space<vmem>>
    %dma_wait3A_539 = arith.constant 0 : i32
    %dma_wait3A_540 = tpu.memref_slice %dma_wait3A_538[%dma_wait3A_531, %dma_wait3A_539] : memref<4x128xi32, #tpu.memory_space<vmem>> -> memref<1x128xi32, #tpu.memory_space<vmem>>
    %dma_wait3A_541 = tpu.memref_squeeze %dma_wait3A_540 : memref<1x128xi32, #tpu.memory_space<vmem>> -> memref<128xi32, #tpu.memory_space<vmem>>
    %dma_wait3A_542 = arith.constant 0 : i32
    %dma_wait3A_543 = arith.constant 0 : i32
    %dma_wait3A_544 = tpu.memref_slice %arg11[%dma_wait3A_542, %dma_wait3A_543] : memref<25000x128xf32, #tpu.memory_space<hbm>> -> memref<25000x128xf32, #tpu.memory_space<hbm>>
    tpu.wait_indirect_dma semaphore(%arg25 : memref<!tpu.dma_semaphore, #tpu.memory_space<semaphore_mem>>) src(%dma_wait3A_544 : memref<25000x128xf32, #tpu.memory_space<hbm>>) dst(%dma_wait3A_534 : memref<128x128xf32, #tpu.memory_space<vmem>>)
    %dma_wait3A_545 = arith.constant 3 : i32
    %dma_wait3A_546 = arith.constant 3 : i32
    %dma_wait3A_547 = arith.constant 128 : i32
    %dma_wait3A_548 = arith.constant 0 : i32
    %dma_wait3A_549 = tpu.memref_slice %arg22[%dma_wait3A_547, %dma_wait3A_548] : memref<256x128xf32, #tpu.memory_space<vmem>> -> memref<128x128xf32, #tpu.memory_space<vmem>>
    %dma_wait3A_550 = arith.constant 0 : i32
    %dma_wait3A_551 = arith.constant 0 : i32
    %dma_wait3A_552 = tpu.memref_slice %arg20[%dma_wait3A_545, %dma_wait3A_550, %dma_wait3A_551] : memref<6x4x128xi32, #tpu.memory_space<vmem>> -> memref<1x4x128xi32, #tpu.memory_space<vmem>>
    %dma_wait3A_553 = tpu.memref_squeeze %dma_wait3A_552 : memref<1x4x128xi32, #tpu.memory_space<vmem>> -> memref<4x128xi32, #tpu.memory_space<vmem>>
    %dma_wait3A_554 = arith.constant 0 : i32
    %dma_wait3A_555 = tpu.memref_slice %dma_wait3A_553[%dma_wait3A_546, %dma_wait3A_554] : memref<4x128xi32, #tpu.memory_space<vmem>> -> memref<1x128xi32, #tpu.memory_space<vmem>>
    %dma_wait3A_556 = tpu.memref_squeeze %dma_wait3A_555 : memref<1x128xi32, #tpu.memory_space<vmem>> -> memref<128xi32, #tpu.memory_space<vmem>>
    %dma_wait3A_557 = arith.constant 0 : i32
    %dma_wait3A_558 = arith.constant 0 : i32
    %dma_wait3A_559 = tpu.memref_slice %arg11[%dma_wait3A_557, %dma_wait3A_558] : memref<25000x128xf32, #tpu.memory_space<hbm>> -> memref<25000x128xf32, #tpu.memory_space<hbm>>
    tpu.wait_indirect_dma semaphore(%arg25 : memref<!tpu.dma_semaphore, #tpu.memory_space<semaphore_mem>>) src(%dma_wait3A_559 : memref<25000x128xf32, #tpu.memory_space<hbm>>) dst(%dma_wait3A_549 : memref<128x128xf32, #tpu.memory_space<vmem>>)
    %add3A_560 = arith.constant 256 : i32
    %add3A_561 = arith.addi %mul3A_2, %add3A_560 : i32
    "tpu.region"() ({
      %run_scoped3A_750 = tpu.sem_alloc : memref<!tpu.dma_semaphore, #tpu.memory_space<semaphore_mem>>
      %dma_start3A_751 = arith.constant 0 : i32
      %dma_start3A_752 = tpu.memref_slice %arg17[%add3A_561, %dma_start3A_751] : memref<16384x128xf32, #tpu.memory_space<hbm>> -> memref<256x128xf32, #tpu.memory_space<hbm>>
      %dma_start3A_753 = arith.constant 0 : i32
      %dma_start3A_754 = tpu.memref_slice %arg17[%add3A_561, %dma_start3A_753] : memref<16384x128xf32, #tpu.memory_space<hbm>> -> memref<256x128xf32, #tpu.memory_space<hbm>>
      tpu.enqueue_dma source(%arg22 : memref<256x128xf32, #tpu.memory_space<vmem>>) target(%dma_start3A_754 : memref<256x128xf32, #tpu.memory_space<hbm>>) target_semaphore(%run_scoped3A_750 : memref<!tpu.dma_semaphore, #tpu.memory_space<semaphore_mem>>)
      %dma_wait3A_755 = arith.constant 0 : i32
      %dma_wait3A_756 = tpu.memref_slice %arg17[%add3A_561, %dma_wait3A_755] : memref<16384x128xf32, #tpu.memory_space<hbm>> -> memref<256x128xf32, #tpu.memory_space<hbm>>
      %dma_wait3A_757 = arith.constant 0 : i32
      %dma_wait3A_758 = tpu.memref_slice %arg17[%add3A_561, %dma_wait3A_757] : memref<16384x128xf32, #tpu.memory_space<hbm>> -> memref<256x128xf32, #tpu.memory_space<hbm>>
      tpu.wait_dma2 semaphore(%run_scoped3A_750 : memref<!tpu.dma_semaphore, #tpu.memory_space<semaphore_mem>>) src(%arg22 : memref<256x128xf32, #tpu.memory_space<vmem>>) dst(%dma_wait3A_758 : memref<256x128xf32, #tpu.memory_space<hbm>>)
      tpu.yield
    }) : () -> ()
    %dma_start3A_562 = arith.constant 5 : i32
    %dma_start3A_563 = arith.constant 0 : i32
    %dma_start3A_564 = arith.constant 0 : i32
    %dma_start3A_565 = arith.constant 0 : i32
    %dma_start3A_566 = tpu.memref_slice %arg22[%dma_start3A_564, %dma_start3A_565] : memref<256x128xf32, #tpu.memory_space<vmem>> -> memref<128x128xf32, #tpu.memory_space<vmem>>
    %dma_start3A_567 = arith.constant 0 : i32
    %dma_start3A_568 = arith.constant 0 : i32
    %dma_start3A_569 = tpu.memref_slice %arg20[%dma_start3A_562, %dma_start3A_567, %dma_start3A_568] : memref<6x4x128xi32, #tpu.memory_space<vmem>> -> memref<1x4x128xi32, #tpu.memory_space<vmem>>
    %dma_start3A_570 = tpu.memref_squeeze %dma_start3A_569 : memref<1x4x128xi32, #tpu.memory_space<vmem>> -> memref<4x128xi32, #tpu.memory_space<vmem>>
    %dma_start3A_571 = arith.constant 0 : i32
    %dma_start3A_572 = tpu.memref_slice %dma_start3A_570[%dma_start3A_563, %dma_start3A_571] : memref<4x128xi32, #tpu.memory_space<vmem>> -> memref<1x128xi32, #tpu.memory_space<vmem>>
    %dma_start3A_573 = tpu.memref_squeeze %dma_start3A_572 : memref<1x128xi32, #tpu.memory_space<vmem>> -> memref<128xi32, #tpu.memory_space<vmem>>
    %dma_start3A_574 = arith.constant 0 : i32
    %dma_start3A_575 = arith.constant 0 : i32
    %dma_start3A_576 = tpu.memref_slice %arg13[%dma_start3A_574, %dma_start3A_575] : memref<50000x128xf32, #tpu.memory_space<hbm>> -> memref<50000x128xf32, #tpu.memory_space<hbm>>
    tpu.enqueue_indirect_dma source(%dma_start3A_576 : memref<50000x128xf32, #tpu.memory_space<hbm>>) target(%dma_start3A_566 : memref<128x128xf32, #tpu.memory_space<vmem>>) offsets(%dma_start3A_573 : memref<128xi32, #tpu.memory_space<vmem>>) semaphore(%arg25 : memref<!tpu.dma_semaphore, #tpu.memory_space<semaphore_mem>>)
    %dma_start3A_577 = arith.constant 5 : i32
    %dma_start3A_578 = arith.constant 1 : i32
    %dma_start3A_579 = arith.constant 128 : i32
    %dma_start3A_580 = arith.constant 0 : i32
    %dma_start3A_581 = tpu.memref_slice %arg22[%dma_start3A_579, %dma_start3A_580] : memref<256x128xf32, #tpu.memory_space<vmem>> -> memref<128x128xf32, #tpu.memory_space<vmem>>
    %dma_start3A_582 = arith.constant 0 : i32
    %dma_start3A_583 = arith.constant 0 : i32
    %dma_start3A_584 = tpu.memref_slice %arg20[%dma_start3A_577, %dma_start3A_582, %dma_start3A_583] : memref<6x4x128xi32, #tpu.memory_space<vmem>> -> memref<1x4x128xi32, #tpu.memory_space<vmem>>
    %dma_start3A_585 = tpu.memref_squeeze %dma_start3A_584 : memref<1x4x128xi32, #tpu.memory_space<vmem>> -> memref<4x128xi32, #tpu.memory_space<vmem>>
    %dma_start3A_586 = arith.constant 0 : i32
    %dma_start3A_587 = tpu.memref_slice %dma_start3A_585[%dma_start3A_578, %dma_start3A_586] : memref<4x128xi32, #tpu.memory_space<vmem>> -> memref<1x128xi32, #tpu.memory_space<vmem>>
    %dma_start3A_588 = tpu.memref_squeeze %dma_start3A_587 : memref<1x128xi32, #tpu.memory_space<vmem>> -> memref<128xi32, #tpu.memory_space<vmem>>
    %dma_start3A_589 = arith.constant 0 : i32
    %dma_start3A_590 = arith.constant 0 : i32
    %dma_start3A_591 = tpu.memref_slice %arg13[%dma_start3A_589, %dma_start3A_590] : memref<50000x128xf32, #tpu.memory_space<hbm>> -> memref<50000x128xf32, #tpu.memory_space<hbm>>
    tpu.enqueue_indirect_dma source(%dma_start3A_591 : memref<50000x128xf32, #tpu.memory_space<hbm>>) target(%dma_start3A_581 : memref<128x128xf32, #tpu.memory_space<vmem>>) offsets(%dma_start3A_588 : memref<128xi32, #tpu.memory_space<vmem>>) semaphore(%arg25 : memref<!tpu.dma_semaphore, #tpu.memory_space<semaphore_mem>>)
    %dma_wait3A_592 = arith.constant 4 : i32
    %dma_wait3A_593 = arith.constant 0 : i32
    %dma_wait3A_594 = arith.constant 0 : i32
    %dma_wait3A_595 = arith.constant 0 : i32
    %dma_wait3A_596 = tpu.memref_slice %arg23[%dma_wait3A_594, %dma_wait3A_595] : memref<256x128xf32, #tpu.memory_space<vmem>> -> memref<128x128xf32, #tpu.memory_space<vmem>>
    %dma_wait3A_597 = arith.constant 0 : i32
    %dma_wait3A_598 = arith.constant 0 : i32
    %dma_wait3A_599 = tpu.memref_slice %arg20[%dma_wait3A_592, %dma_wait3A_597, %dma_wait3A_598] : memref<6x4x128xi32, #tpu.memory_space<vmem>> -> memref<1x4x128xi32, #tpu.memory_space<vmem>>
    %dma_wait3A_600 = tpu.memref_squeeze %dma_wait3A_599 : memref<1x4x128xi32, #tpu.memory_space<vmem>> -> memref<4x128xi32, #tpu.memory_space<vmem>>
    %dma_wait3A_601 = arith.constant 0 : i32
    %dma_wait3A_602 = tpu.memref_slice %dma_wait3A_600[%dma_wait3A_593, %dma_wait3A_601] : memref<4x128xi32, #tpu.memory_space<vmem>> -> memref<1x128xi32, #tpu.memory_space<vmem>>
    %dma_wait3A_603 = tpu.memref_squeeze %dma_wait3A_602 : memref<1x128xi32, #tpu.memory_space<vmem>> -> memref<128xi32, #tpu.memory_space<vmem>>
    %dma_wait3A_604 = arith.constant 0 : i32
    %dma_wait3A_605 = arith.constant 0 : i32
    %dma_wait3A_606 = tpu.memref_slice %arg12[%dma_wait3A_604, %dma_wait3A_605] : memref<25000x128xf32, #tpu.memory_space<hbm>> -> memref<25000x128xf32, #tpu.memory_space<hbm>>
    tpu.wait_indirect_dma semaphore(%arg26 : memref<!tpu.dma_semaphore, #tpu.memory_space<semaphore_mem>>) src(%dma_wait3A_606 : memref<25000x128xf32, #tpu.memory_space<hbm>>) dst(%dma_wait3A_596 : memref<128x128xf32, #tpu.memory_space<vmem>>)
    %dma_wait3A_607 = arith.constant 4 : i32
    %dma_wait3A_608 = arith.constant 1 : i32
    %dma_wait3A_609 = arith.constant 128 : i32
    %dma_wait3A_610 = arith.constant 0 : i32
    %dma_wait3A_611 = tpu.memref_slice %arg23[%dma_wait3A_609, %dma_wait3A_610] : memref<256x128xf32, #tpu.memory_space<vmem>> -> memref<128x128xf32, #tpu.memory_space<vmem>>
    %dma_wait3A_612 = arith.constant 0 : i32
    %dma_wait3A_613 = arith.constant 0 : i32
    %dma_wait3A_614 = tpu.memref_slice %arg20[%dma_wait3A_607, %dma_wait3A_612, %dma_wait3A_613] : memref<6x4x128xi32, #tpu.memory_space<vmem>> -> memref<1x4x128xi32, #tpu.memory_space<vmem>>
    %dma_wait3A_615 = tpu.memref_squeeze %dma_wait3A_614 : memref<1x4x128xi32, #tpu.memory_space<vmem>> -> memref<4x128xi32, #tpu.memory_space<vmem>>
    %dma_wait3A_616 = arith.constant 0 : i32
    %dma_wait3A_617 = tpu.memref_slice %dma_wait3A_615[%dma_wait3A_608, %dma_wait3A_616] : memref<4x128xi32, #tpu.memory_space<vmem>> -> memref<1x128xi32, #tpu.memory_space<vmem>>
    %dma_wait3A_618 = tpu.memref_squeeze %dma_wait3A_617 : memref<1x128xi32, #tpu.memory_space<vmem>> -> memref<128xi32, #tpu.memory_space<vmem>>
    %dma_wait3A_619 = arith.constant 0 : i32
    %dma_wait3A_620 = arith.constant 0 : i32
    %dma_wait3A_621 = tpu.memref_slice %arg12[%dma_wait3A_619, %dma_wait3A_620] : memref<25000x128xf32, #tpu.memory_space<hbm>> -> memref<25000x128xf32, #tpu.memory_space<hbm>>
    tpu.wait_indirect_dma semaphore(%arg26 : memref<!tpu.dma_semaphore, #tpu.memory_space<semaphore_mem>>) src(%dma_wait3A_621 : memref<25000x128xf32, #tpu.memory_space<hbm>>) dst(%dma_wait3A_611 : memref<128x128xf32, #tpu.memory_space<vmem>>)
    %add3A_622 = arith.constant 0 : i32
    %add3A_623 = arith.addi %mul3A_2, %add3A_622 : i32
    "tpu.region"() ({
      %run_scoped3A_750 = tpu.sem_alloc : memref<!tpu.dma_semaphore, #tpu.memory_space<semaphore_mem>>
      %dma_start3A_751 = arith.constant 0 : i32
      %dma_start3A_752 = tpu.memref_slice %arg18[%add3A_623, %dma_start3A_751] : memref<16384x128xf32, #tpu.memory_space<hbm>> -> memref<256x128xf32, #tpu.memory_space<hbm>>
      %dma_start3A_753 = arith.constant 0 : i32
      %dma_start3A_754 = tpu.memref_slice %arg18[%add3A_623, %dma_start3A_753] : memref<16384x128xf32, #tpu.memory_space<hbm>> -> memref<256x128xf32, #tpu.memory_space<hbm>>
      tpu.enqueue_dma source(%arg23 : memref<256x128xf32, #tpu.memory_space<vmem>>) target(%dma_start3A_754 : memref<256x128xf32, #tpu.memory_space<hbm>>) target_semaphore(%run_scoped3A_750 : memref<!tpu.dma_semaphore, #tpu.memory_space<semaphore_mem>>)
      %dma_wait3A_755 = arith.constant 0 : i32
      %dma_wait3A_756 = tpu.memref_slice %arg18[%add3A_623, %dma_wait3A_755] : memref<16384x128xf32, #tpu.memory_space<hbm>> -> memref<256x128xf32, #tpu.memory_space<hbm>>
      %dma_wait3A_757 = arith.constant 0 : i32
      %dma_wait3A_758 = tpu.memref_slice %arg18[%add3A_623, %dma_wait3A_757] : memref<16384x128xf32, #tpu.memory_space<hbm>> -> memref<256x128xf32, #tpu.memory_space<hbm>>
      tpu.wait_dma2 semaphore(%run_scoped3A_750 : memref<!tpu.dma_semaphore, #tpu.memory_space<semaphore_mem>>) src(%arg23 : memref<256x128xf32, #tpu.memory_space<vmem>>) dst(%dma_wait3A_758 : memref<256x128xf32, #tpu.memory_space<hbm>>)
      tpu.yield
    }) : () -> ()
    %dma_start3A_624 = arith.constant 5 : i32
    %dma_start3A_625 = arith.constant 2 : i32
    %dma_start3A_626 = arith.constant 0 : i32
    %dma_start3A_627 = arith.constant 0 : i32
    %dma_start3A_628 = tpu.memref_slice %arg23[%dma_start3A_626, %dma_start3A_627] : memref<256x128xf32, #tpu.memory_space<vmem>> -> memref<128x128xf32, #tpu.memory_space<vmem>>
    %dma_start3A_629 = arith.constant 0 : i32
    %dma_start3A_630 = arith.constant 0 : i32
    %dma_start3A_631 = tpu.memref_slice %arg20[%dma_start3A_624, %dma_start3A_629, %dma_start3A_630] : memref<6x4x128xi32, #tpu.memory_space<vmem>> -> memref<1x4x128xi32, #tpu.memory_space<vmem>>
    %dma_start3A_632 = tpu.memref_squeeze %dma_start3A_631 : memref<1x4x128xi32, #tpu.memory_space<vmem>> -> memref<4x128xi32, #tpu.memory_space<vmem>>
    %dma_start3A_633 = arith.constant 0 : i32
    %dma_start3A_634 = tpu.memref_slice %dma_start3A_632[%dma_start3A_625, %dma_start3A_633] : memref<4x128xi32, #tpu.memory_space<vmem>> -> memref<1x128xi32, #tpu.memory_space<vmem>>
    %dma_start3A_635 = tpu.memref_squeeze %dma_start3A_634 : memref<1x128xi32, #tpu.memory_space<vmem>> -> memref<128xi32, #tpu.memory_space<vmem>>
    %dma_start3A_636 = arith.constant 0 : i32
    %dma_start3A_637 = arith.constant 0 : i32
    %dma_start3A_638 = tpu.memref_slice %arg13[%dma_start3A_636, %dma_start3A_637] : memref<50000x128xf32, #tpu.memory_space<hbm>> -> memref<50000x128xf32, #tpu.memory_space<hbm>>
    tpu.enqueue_indirect_dma source(%dma_start3A_638 : memref<50000x128xf32, #tpu.memory_space<hbm>>) target(%dma_start3A_628 : memref<128x128xf32, #tpu.memory_space<vmem>>) offsets(%dma_start3A_635 : memref<128xi32, #tpu.memory_space<vmem>>) semaphore(%arg26 : memref<!tpu.dma_semaphore, #tpu.memory_space<semaphore_mem>>)
    %dma_start3A_639 = arith.constant 5 : i32
    %dma_start3A_640 = arith.constant 3 : i32
    %dma_start3A_641 = arith.constant 128 : i32
    %dma_start3A_642 = arith.constant 0 : i32
    %dma_start3A_643 = tpu.memref_slice %arg23[%dma_start3A_641, %dma_start3A_642] : memref<256x128xf32, #tpu.memory_space<vmem>> -> memref<128x128xf32, #tpu.memory_space<vmem>>
    %dma_start3A_644 = arith.constant 0 : i32
    %dma_start3A_645 = arith.constant 0 : i32
    %dma_start3A_646 = tpu.memref_slice %arg20[%dma_start3A_639, %dma_start3A_644, %dma_start3A_645] : memref<6x4x128xi32, #tpu.memory_space<vmem>> -> memref<1x4x128xi32, #tpu.memory_space<vmem>>
    %dma_start3A_647 = tpu.memref_squeeze %dma_start3A_646 : memref<1x4x128xi32, #tpu.memory_space<vmem>> -> memref<4x128xi32, #tpu.memory_space<vmem>>
    %dma_start3A_648 = arith.constant 0 : i32
    %dma_start3A_649 = tpu.memref_slice %dma_start3A_647[%dma_start3A_640, %dma_start3A_648] : memref<4x128xi32, #tpu.memory_space<vmem>> -> memref<1x128xi32, #tpu.memory_space<vmem>>
    %dma_start3A_650 = tpu.memref_squeeze %dma_start3A_649 : memref<1x128xi32, #tpu.memory_space<vmem>> -> memref<128xi32, #tpu.memory_space<vmem>>
    %dma_start3A_651 = arith.constant 0 : i32
    %dma_start3A_652 = arith.constant 0 : i32
    %dma_start3A_653 = tpu.memref_slice %arg13[%dma_start3A_651, %dma_start3A_652] : memref<50000x128xf32, #tpu.memory_space<hbm>> -> memref<50000x128xf32, #tpu.memory_space<hbm>>
    tpu.enqueue_indirect_dma source(%dma_start3A_653 : memref<50000x128xf32, #tpu.memory_space<hbm>>) target(%dma_start3A_643 : memref<128x128xf32, #tpu.memory_space<vmem>>) offsets(%dma_start3A_650 : memref<128xi32, #tpu.memory_space<vmem>>) semaphore(%arg26 : memref<!tpu.dma_semaphore, #tpu.memory_space<semaphore_mem>>)
    %dma_wait3A_654 = arith.constant 4 : i32
    %dma_wait3A_655 = arith.constant 2 : i32
    %dma_wait3A_656 = arith.constant 0 : i32
    %dma_wait3A_657 = arith.constant 0 : i32
    %dma_wait3A_658 = tpu.memref_slice %arg21[%dma_wait3A_656, %dma_wait3A_657] : memref<256x128xf32, #tpu.memory_space<vmem>> -> memref<128x128xf32, #tpu.memory_space<vmem>>
    %dma_wait3A_659 = arith.constant 0 : i32
    %dma_wait3A_660 = arith.constant 0 : i32
    %dma_wait3A_661 = tpu.memref_slice %arg20[%dma_wait3A_654, %dma_wait3A_659, %dma_wait3A_660] : memref<6x4x128xi32, #tpu.memory_space<vmem>> -> memref<1x4x128xi32, #tpu.memory_space<vmem>>
    %dma_wait3A_662 = tpu.memref_squeeze %dma_wait3A_661 : memref<1x4x128xi32, #tpu.memory_space<vmem>> -> memref<4x128xi32, #tpu.memory_space<vmem>>
    %dma_wait3A_663 = arith.constant 0 : i32
    %dma_wait3A_664 = tpu.memref_slice %dma_wait3A_662[%dma_wait3A_655, %dma_wait3A_663] : memref<4x128xi32, #tpu.memory_space<vmem>> -> memref<1x128xi32, #tpu.memory_space<vmem>>
    %dma_wait3A_665 = tpu.memref_squeeze %dma_wait3A_664 : memref<1x128xi32, #tpu.memory_space<vmem>> -> memref<128xi32, #tpu.memory_space<vmem>>
    %dma_wait3A_666 = arith.constant 0 : i32
    %dma_wait3A_667 = arith.constant 0 : i32
    %dma_wait3A_668 = tpu.memref_slice %arg12[%dma_wait3A_666, %dma_wait3A_667] : memref<25000x128xf32, #tpu.memory_space<hbm>> -> memref<25000x128xf32, #tpu.memory_space<hbm>>
    tpu.wait_indirect_dma semaphore(%arg24 : memref<!tpu.dma_semaphore, #tpu.memory_space<semaphore_mem>>) src(%dma_wait3A_668 : memref<25000x128xf32, #tpu.memory_space<hbm>>) dst(%dma_wait3A_658 : memref<128x128xf32, #tpu.memory_space<vmem>>)
    %dma_wait3A_669 = arith.constant 4 : i32
    %dma_wait3A_670 = arith.constant 3 : i32
    %dma_wait3A_671 = arith.constant 128 : i32
    %dma_wait3A_672 = arith.constant 0 : i32
    %dma_wait3A_673 = tpu.memref_slice %arg21[%dma_wait3A_671, %dma_wait3A_672] : memref<256x128xf32, #tpu.memory_space<vmem>> -> memref<128x128xf32, #tpu.memory_space<vmem>>
    %dma_wait3A_674 = arith.constant 0 : i32
    %dma_wait3A_675 = arith.constant 0 : i32
    %dma_wait3A_676 = tpu.memref_slice %arg20[%dma_wait3A_669, %dma_wait3A_674, %dma_wait3A_675] : memref<6x4x128xi32, #tpu.memory_space<vmem>> -> memref<1x4x128xi32, #tpu.memory_space<vmem>>
    %dma_wait3A_677 = tpu.memref_squeeze %dma_wait3A_676 : memref<1x4x128xi32, #tpu.memory_space<vmem>> -> memref<4x128xi32, #tpu.memory_space<vmem>>
    %dma_wait3A_678 = arith.constant 0 : i32
    %dma_wait3A_679 = tpu.memref_slice %dma_wait3A_677[%dma_wait3A_670, %dma_wait3A_678] : memref<4x128xi32, #tpu.memory_space<vmem>> -> memref<1x128xi32, #tpu.memory_space<vmem>>
    %dma_wait3A_680 = tpu.memref_squeeze %dma_wait3A_679 : memref<1x128xi32, #tpu.memory_space<vmem>> -> memref<128xi32, #tpu.memory_space<vmem>>
    %dma_wait3A_681 = arith.constant 0 : i32
    %dma_wait3A_682 = arith.constant 0 : i32
    %dma_wait3A_683 = tpu.memref_slice %arg12[%dma_wait3A_681, %dma_wait3A_682] : memref<25000x128xf32, #tpu.memory_space<hbm>> -> memref<25000x128xf32, #tpu.memory_space<hbm>>
    tpu.wait_indirect_dma semaphore(%arg24 : memref<!tpu.dma_semaphore, #tpu.memory_space<semaphore_mem>>) src(%dma_wait3A_683 : memref<25000x128xf32, #tpu.memory_space<hbm>>) dst(%dma_wait3A_673 : memref<128x128xf32, #tpu.memory_space<vmem>>)
    %add3A_684 = arith.constant 256 : i32
    %add3A_685 = arith.addi %mul3A_2, %add3A_684 : i32
    "tpu.region"() ({
      %run_scoped3A_750 = tpu.sem_alloc : memref<!tpu.dma_semaphore, #tpu.memory_space<semaphore_mem>>
      %dma_start3A_751 = arith.constant 0 : i32
      %dma_start3A_752 = tpu.memref_slice %arg18[%add3A_685, %dma_start3A_751] : memref<16384x128xf32, #tpu.memory_space<hbm>> -> memref<256x128xf32, #tpu.memory_space<hbm>>
      %dma_start3A_753 = arith.constant 0 : i32
      %dma_start3A_754 = tpu.memref_slice %arg18[%add3A_685, %dma_start3A_753] : memref<16384x128xf32, #tpu.memory_space<hbm>> -> memref<256x128xf32, #tpu.memory_space<hbm>>
      tpu.enqueue_dma source(%arg21 : memref<256x128xf32, #tpu.memory_space<vmem>>) target(%dma_start3A_754 : memref<256x128xf32, #tpu.memory_space<hbm>>) target_semaphore(%run_scoped3A_750 : memref<!tpu.dma_semaphore, #tpu.memory_space<semaphore_mem>>)
      %dma_wait3A_755 = arith.constant 0 : i32
      %dma_wait3A_756 = tpu.memref_slice %arg18[%add3A_685, %dma_wait3A_755] : memref<16384x128xf32, #tpu.memory_space<hbm>> -> memref<256x128xf32, #tpu.memory_space<hbm>>
      %dma_wait3A_757 = arith.constant 0 : i32
      %dma_wait3A_758 = tpu.memref_slice %arg18[%add3A_685, %dma_wait3A_757] : memref<16384x128xf32, #tpu.memory_space<hbm>> -> memref<256x128xf32, #tpu.memory_space<hbm>>
      tpu.wait_dma2 semaphore(%run_scoped3A_750 : memref<!tpu.dma_semaphore, #tpu.memory_space<semaphore_mem>>) src(%arg21 : memref<256x128xf32, #tpu.memory_space<vmem>>) dst(%dma_wait3A_758 : memref<256x128xf32, #tpu.memory_space<hbm>>)
      tpu.yield
    }) : () -> ()
    %dma_wait3A_686 = arith.constant 5 : i32
    %dma_wait3A_687 = arith.constant 0 : i32
    %dma_wait3A_688 = arith.constant 0 : i32
    %dma_wait3A_689 = arith.constant 0 : i32
    %dma_wait3A_690 = tpu.memref_slice %arg22[%dma_wait3A_688, %dma_wait3A_689] : memref<256x128xf32, #tpu.memory_space<vmem>> -> memref<128x128xf32, #tpu.memory_space<vmem>>
    %dma_wait3A_691 = arith.constant 0 : i32
    %dma_wait3A_692 = arith.constant 0 : i32
    %dma_wait3A_693 = tpu.memref_slice %arg20[%dma_wait3A_686, %dma_wait3A_691, %dma_wait3A_692] : memref<6x4x128xi32, #tpu.memory_space<vmem>> -> memref<1x4x128xi32, #tpu.memory_space<vmem>>
    %dma_wait3A_694 = tpu.memref_squeeze %dma_wait3A_693 : memref<1x4x128xi32, #tpu.memory_space<vmem>> -> memref<4x128xi32, #tpu.memory_space<vmem>>
    %dma_wait3A_695 = arith.constant 0 : i32
    %dma_wait3A_696 = tpu.memref_slice %dma_wait3A_694[%dma_wait3A_687, %dma_wait3A_695] : memref<4x128xi32, #tpu.memory_space<vmem>> -> memref<1x128xi32, #tpu.memory_space<vmem>>
    %dma_wait3A_697 = tpu.memref_squeeze %dma_wait3A_696 : memref<1x128xi32, #tpu.memory_space<vmem>> -> memref<128xi32, #tpu.memory_space<vmem>>
    %dma_wait3A_698 = arith.constant 0 : i32
    %dma_wait3A_699 = arith.constant 0 : i32
    %dma_wait3A_700 = tpu.memref_slice %arg13[%dma_wait3A_698, %dma_wait3A_699] : memref<50000x128xf32, #tpu.memory_space<hbm>> -> memref<50000x128xf32, #tpu.memory_space<hbm>>
    tpu.wait_indirect_dma semaphore(%arg25 : memref<!tpu.dma_semaphore, #tpu.memory_space<semaphore_mem>>) src(%dma_wait3A_700 : memref<50000x128xf32, #tpu.memory_space<hbm>>) dst(%dma_wait3A_690 : memref<128x128xf32, #tpu.memory_space<vmem>>)
    %dma_wait3A_701 = arith.constant 5 : i32
    %dma_wait3A_702 = arith.constant 1 : i32
    %dma_wait3A_703 = arith.constant 128 : i32
    %dma_wait3A_704 = arith.constant 0 : i32
    %dma_wait3A_705 = tpu.memref_slice %arg22[%dma_wait3A_703, %dma_wait3A_704] : memref<256x128xf32, #tpu.memory_space<vmem>> -> memref<128x128xf32, #tpu.memory_space<vmem>>
    %dma_wait3A_706 = arith.constant 0 : i32
    %dma_wait3A_707 = arith.constant 0 : i32
    %dma_wait3A_708 = tpu.memref_slice %arg20[%dma_wait3A_701, %dma_wait3A_706, %dma_wait3A_707] : memref<6x4x128xi32, #tpu.memory_space<vmem>> -> memref<1x4x128xi32, #tpu.memory_space<vmem>>
    %dma_wait3A_709 = tpu.memref_squeeze %dma_wait3A_708 : memref<1x4x128xi32, #tpu.memory_space<vmem>> -> memref<4x128xi32, #tpu.memory_space<vmem>>
    %dma_wait3A_710 = arith.constant 0 : i32
    %dma_wait3A_711 = tpu.memref_slice %dma_wait3A_709[%dma_wait3A_702, %dma_wait3A_710] : memref<4x128xi32, #tpu.memory_space<vmem>> -> memref<1x128xi32, #tpu.memory_space<vmem>>
    %dma_wait3A_712 = tpu.memref_squeeze %dma_wait3A_711 : memref<1x128xi32, #tpu.memory_space<vmem>> -> memref<128xi32, #tpu.memory_space<vmem>>
    %dma_wait3A_713 = arith.constant 0 : i32
    %dma_wait3A_714 = arith.constant 0 : i32
    %dma_wait3A_715 = tpu.memref_slice %arg13[%dma_wait3A_713, %dma_wait3A_714] : memref<50000x128xf32, #tpu.memory_space<hbm>> -> memref<50000x128xf32, #tpu.memory_space<hbm>>
    tpu.wait_indirect_dma semaphore(%arg25 : memref<!tpu.dma_semaphore, #tpu.memory_space<semaphore_mem>>) src(%dma_wait3A_715 : memref<50000x128xf32, #tpu.memory_space<hbm>>) dst(%dma_wait3A_705 : memref<128x128xf32, #tpu.memory_space<vmem>>)
    %add3A_716 = arith.constant 0 : i32
    %add3A_717 = arith.addi %mul3A_2, %add3A_716 : i32
    "tpu.region"() ({
      %run_scoped3A_750 = tpu.sem_alloc : memref<!tpu.dma_semaphore, #tpu.memory_space<semaphore_mem>>
      %dma_start3A_751 = arith.constant 0 : i32
      %dma_start3A_752 = tpu.memref_slice %arg19[%add3A_717, %dma_start3A_751] : memref<16384x128xf32, #tpu.memory_space<hbm>> -> memref<256x128xf32, #tpu.memory_space<hbm>>
      %dma_start3A_753 = arith.constant 0 : i32
      %dma_start3A_754 = tpu.memref_slice %arg19[%add3A_717, %dma_start3A_753] : memref<16384x128xf32, #tpu.memory_space<hbm>> -> memref<256x128xf32, #tpu.memory_space<hbm>>
      tpu.enqueue_dma source(%arg22 : memref<256x128xf32, #tpu.memory_space<vmem>>) target(%dma_start3A_754 : memref<256x128xf32, #tpu.memory_space<hbm>>) target_semaphore(%run_scoped3A_750 : memref<!tpu.dma_semaphore, #tpu.memory_space<semaphore_mem>>)
      %dma_wait3A_755 = arith.constant 0 : i32
      %dma_wait3A_756 = tpu.memref_slice %arg19[%add3A_717, %dma_wait3A_755] : memref<16384x128xf32, #tpu.memory_space<hbm>> -> memref<256x128xf32, #tpu.memory_space<hbm>>
      %dma_wait3A_757 = arith.constant 0 : i32
      %dma_wait3A_758 = tpu.memref_slice %arg19[%add3A_717, %dma_wait3A_757] : memref<16384x128xf32, #tpu.memory_space<hbm>> -> memref<256x128xf32, #tpu.memory_space<hbm>>
      tpu.wait_dma2 semaphore(%run_scoped3A_750 : memref<!tpu.dma_semaphore, #tpu.memory_space<semaphore_mem>>) src(%arg22 : memref<256x128xf32, #tpu.memory_space<vmem>>) dst(%dma_wait3A_758 : memref<256x128xf32, #tpu.memory_space<hbm>>)
      tpu.yield
    }) : () -> ()
    %dma_wait3A_718 = arith.constant 5 : i32
    %dma_wait3A_719 = arith.constant 2 : i32
    %dma_wait3A_720 = arith.constant 0 : i32
    %dma_wait3A_721 = arith.constant 0 : i32
    %dma_wait3A_722 = tpu.memref_slice %arg23[%dma_wait3A_720, %dma_wait3A_721] : memref<256x128xf32, #tpu.memory_space<vmem>> -> memref<128x128xf32, #tpu.memory_space<vmem>>
    %dma_wait3A_723 = arith.constant 0 : i32
    %dma_wait3A_724 = arith.constant 0 : i32
    %dma_wait3A_725 = tpu.memref_slice %arg20[%dma_wait3A_718, %dma_wait3A_723, %dma_wait3A_724] : memref<6x4x128xi32, #tpu.memory_space<vmem>> -> memref<1x4x128xi32, #tpu.memory_space<vmem>>
    %dma_wait3A_726 = tpu.memref_squeeze %dma_wait3A_725 : memref<1x4x128xi32, #tpu.memory_space<vmem>> -> memref<4x128xi32, #tpu.memory_space<vmem>>
    %dma_wait3A_727 = arith.constant 0 : i32
    %dma_wait3A_728 = tpu.memref_slice %dma_wait3A_726[%dma_wait3A_719, %dma_wait3A_727] : memref<4x128xi32, #tpu.memory_space<vmem>> -> memref<1x128xi32, #tpu.memory_space<vmem>>
    %dma_wait3A_729 = tpu.memref_squeeze %dma_wait3A_728 : memref<1x128xi32, #tpu.memory_space<vmem>> -> memref<128xi32, #tpu.memory_space<vmem>>
    %dma_wait3A_730 = arith.constant 0 : i32
    %dma_wait3A_731 = arith.constant 0 : i32
    %dma_wait3A_732 = tpu.memref_slice %arg13[%dma_wait3A_730, %dma_wait3A_731] : memref<50000x128xf32, #tpu.memory_space<hbm>> -> memref<50000x128xf32, #tpu.memory_space<hbm>>
    tpu.wait_indirect_dma semaphore(%arg26 : memref<!tpu.dma_semaphore, #tpu.memory_space<semaphore_mem>>) src(%dma_wait3A_732 : memref<50000x128xf32, #tpu.memory_space<hbm>>) dst(%dma_wait3A_722 : memref<128x128xf32, #tpu.memory_space<vmem>>)
    %dma_wait3A_733 = arith.constant 5 : i32
    %dma_wait3A_734 = arith.constant 3 : i32
    %dma_wait3A_735 = arith.constant 128 : i32
    %dma_wait3A_736 = arith.constant 0 : i32
    %dma_wait3A_737 = tpu.memref_slice %arg23[%dma_wait3A_735, %dma_wait3A_736] : memref<256x128xf32, #tpu.memory_space<vmem>> -> memref<128x128xf32, #tpu.memory_space<vmem>>
    %dma_wait3A_738 = arith.constant 0 : i32
    %dma_wait3A_739 = arith.constant 0 : i32
    %dma_wait3A_740 = tpu.memref_slice %arg20[%dma_wait3A_733, %dma_wait3A_738, %dma_wait3A_739] : memref<6x4x128xi32, #tpu.memory_space<vmem>> -> memref<1x4x128xi32, #tpu.memory_space<vmem>>
    %dma_wait3A_741 = tpu.memref_squeeze %dma_wait3A_740 : memref<1x4x128xi32, #tpu.memory_space<vmem>> -> memref<4x128xi32, #tpu.memory_space<vmem>>
    %dma_wait3A_742 = arith.constant 0 : i32
    %dma_wait3A_743 = tpu.memref_slice %dma_wait3A_741[%dma_wait3A_734, %dma_wait3A_742] : memref<4x128xi32, #tpu.memory_space<vmem>> -> memref<1x128xi32, #tpu.memory_space<vmem>>
    %dma_wait3A_744 = tpu.memref_squeeze %dma_wait3A_743 : memref<1x128xi32, #tpu.memory_space<vmem>> -> memref<128xi32, #tpu.memory_space<vmem>>
    %dma_wait3A_745 = arith.constant 0 : i32
    %dma_wait3A_746 = arith.constant 0 : i32
    %dma_wait3A_747 = tpu.memref_slice %arg13[%dma_wait3A_745, %dma_wait3A_746] : memref<50000x128xf32, #tpu.memory_space<hbm>> -> memref<50000x128xf32, #tpu.memory_space<hbm>>
    tpu.wait_indirect_dma semaphore(%arg26 : memref<!tpu.dma_semaphore, #tpu.memory_space<semaphore_mem>>) src(%dma_wait3A_747 : memref<50000x128xf32, #tpu.memory_space<hbm>>) dst(%dma_wait3A_737 : memref<128x128xf32, #tpu.memory_space<vmem>>)
    %add3A_748 = arith.constant 256 : i32
    %add3A_749 = arith.addi %mul3A_2, %add3A_748 : i32
    "tpu.region"() ({
      %run_scoped3A_750 = tpu.sem_alloc : memref<!tpu.dma_semaphore, #tpu.memory_space<semaphore_mem>>
      %dma_start3A_751 = arith.constant 0 : i32
      %dma_start3A_752 = tpu.memref_slice %arg19[%add3A_749, %dma_start3A_751] : memref<16384x128xf32, #tpu.memory_space<hbm>> -> memref<256x128xf32, #tpu.memory_space<hbm>>
      %dma_start3A_753 = arith.constant 0 : i32
      %dma_start3A_754 = tpu.memref_slice %arg19[%add3A_749, %dma_start3A_753] : memref<16384x128xf32, #tpu.memory_space<hbm>> -> memref<256x128xf32, #tpu.memory_space<hbm>>
      tpu.enqueue_dma source(%arg23 : memref<256x128xf32, #tpu.memory_space<vmem>>) target(%dma_start3A_754 : memref<256x128xf32, #tpu.memory_space<hbm>>) target_semaphore(%run_scoped3A_750 : memref<!tpu.dma_semaphore, #tpu.memory_space<semaphore_mem>>)
      %dma_wait3A_755 = arith.constant 0 : i32
      %dma_wait3A_756 = tpu.memref_slice %arg19[%add3A_749, %dma_wait3A_755] : memref<16384x128xf32, #tpu.memory_space<hbm>> -> memref<256x128xf32, #tpu.memory_space<hbm>>
      %dma_wait3A_757 = arith.constant 0 : i32
      %dma_wait3A_758 = tpu.memref_slice %arg19[%add3A_749, %dma_wait3A_757] : memref<16384x128xf32, #tpu.memory_space<hbm>> -> memref<256x128xf32, #tpu.memory_space<hbm>>
      tpu.wait_dma2 semaphore(%run_scoped3A_750 : memref<!tpu.dma_semaphore, #tpu.memory_space<semaphore_mem>>) src(%arg23 : memref<256x128xf32, #tpu.memory_space<vmem>>) dst(%dma_wait3A_758 : memref<256x128xf32, #tpu.memory_space<hbm>>)
      tpu.yield
    }) : () -> ()
    return
  }
}

</mosaic_0001>

<sc_bundles>
// kernel: rs_gather6.3.cloned.1.call-start
scs
__scs_entry_jumppad:
0x0: {  	(pc) =	sbr.rel $0x88, $3  }
0x1: {  	(tag) =	ssettag $0x0;
	lr =	simm.s32 $0x1  }
0x2: {  	[smem:$0x3F95] =	sst lr;
	_ =	strace $0xD0000000  }
0x3: {  	_ = 	snop  }
0x4: {  	_ = 	snop  }
0x5: {  	_ = 	snop  }
0x6: {  	_ = 	snop  }
0x7: {  	_ = 	snop  }
__scs_overlays_trampoline_lowered:
0x8: {  	[smem:$0x3FA4] =	sst s0  }
0x9: {  	[smem:$0x3FA5] =	sst s1  }
0xa: {  	[smem:$0x3FA6] =	sst s2  }
0xb: {  	[smem:$0x3FA7] =	sst s3  }
0xc: {  	[smem:$0x3FA8] =	sst s4  }
0xd: {  	[smem:$0x3FA9] =	sst s5  }
0xe: {  	[smem:$0x3FAA] =	sst s6  }
0xf: {  	[smem:$0x3FAB] =	sst s7  }
0x10: {  	[smem:$0x3FAC] =	sst s8  }
0x11: {  	[smem:$0x3FAD] =	sst s9;
	s0 =	simm.s32 @!p0 $0x0  }
0x12: {  	s1 =	sld [smem:$0x3F93];
	s0 =	simm.s32 @p0 $0x1  }
0x13: {  	[smem:$0x3FAE] =	sst s0;
	s0 =	simm.s32 @!p1 $0x0  }
0x14: {  	s2 =	sld [smem:$0x3F92];
	s0 =	simm.s32 @p1 $0x1  }
0x15: {  	[smem:$0x3FAF] =	sst s0;
	s0 =	simm.s32 @!p2 $0x0  }
0x16: {  	s3 =	sld [smem:$0x3FDB];
	s0 =	simm.s32 @p2 $0x1  }
0x17: {  	s4 =	simm.s32 $0x1BF5;
	[smem:$0x3FB1] =	sst s0  }
0x18: {  	s0 =	sld [smem:$0x3F94];
	_ =	swait.ge [sflag:s4], $0x0  }
0x19: {  	s7 =	sld [smem:$0x3F95]  }
0x1a: {  	s8 =	sadd.s32 $0xFFFFE003, lr  }
0x1b: {  	s9 =	sadd.s32 $0xFFFFFEF7, lr;
	s5 =	simm.s32 $0xFFFFFFFF;
	p2 =	slt.u32 s8, $0xFFFFF086  }
0x1c: {  	p1 =	slt.u32 s9, $0xF7A;
	s5 =	simm.s32 @!p2 $0x0  }
0x1d: {  	s5 =	simm.s32 @p1 $0x1;
	p0 =	seq.s32 s7, s2  }
0x1e: {  	s7 =	smul.u32 @!p0 $0xF7A, s2;
	p2 =	seq.s32 @!p0 s5, $0x0  }
0x1f: {  	s9 =	smul.u32 $0xF7A, s1;
	s8 =	simm.s32 @!p0 $0x1BF5;
	p2 =	por !p2, p0  }
0x20: {  	[sflag:s8] =	ssyncset.s32 @!p0 $0xFFFFF086;
	s6 =	sadd.s32 @!p0 s3, s7;
	s7 =	simm.s32 @!p0 $0x108  }
0x21: {  	s3 =	sadd.s32 s3, s9;
	s6 =	sadd.s32 @!p0 $0x88, s6;
	s7 =	simm.s32 @p2 $0x1082  }
0x22: {  	[simem:s7], [sflag:s8] =	dma.local @!p0 [hbm:s6], $0xF7A  }
0x23: {  	s9 =	sor.u32 $0xD0000000, s2;
	s6 =	simm.s32 $0x108;
	_ =	swait.ge @!p0 [sflag:s8], $0x0  }
0x24: {  	s3 =	sadd.s32 $0x88, s3;
	s6 =	simm.s32 @!p1 $0x1082;
	[sflag:s4] =	ssyncset.s32 $0xFFFFF086  }
0x25: {  	[simem:s6], [sflag:s4] =	dma.local [hbm:s3], $0xF7A  }
0x26: {  	[smem:$0x3F95] =	sst s1;
	(tag) =	ssettag s2;
	_ =	strace s9  }
0x27: {  	s1 =	sld [smem:$0x3FA5]  }
0x28: {  	s2 =	sld [smem:$0x3FA6]  }
0x29: {  	s4 =	sld [smem:$0x3FA8]  }
0x2a: {  	p0 =	seq.s32 s5, $0x0;
	s5 =	sld [smem:$0x3FA9]  }
0x2b: {  	s6 =	sld [smem:$0x3FAA]  }
0x2c: {  	s7 =	sld [smem:$0x3FAB]  }
0x2d: {  	s3 =	simm.s32 $0x108;
	s8 =	sld [smem:$0x3FAC]  }
0x2e: {  	s3 =	simm.s32 @!p0 $0x1082;
	s9 =	sld [smem:$0x3FAD]  }
0x2f: {  	lr =	sadd.s32 s0, s3;
	s0 =	sld [smem:$0x3FA4]  }
0x30: {  	s3 =	sld [smem:$0x3FA7]  }
0x31: {  	[smem:$0x3FB0] =	sst s10  }
0x32: {  	s10 =	sld [smem:$0x3FAE];
	_ =	sdelay $0x3  }
0x33: {  	p0 =	seq.s32 s10, $0x1;
	s10 =	sld [smem:$0x3FB0];
	_ =	sdelay $0x3  }
0x34: {  	[smem:$0x3FB0] =	sst s10  }
0x35: {  	s10 =	sld [smem:$0x3FAF];
	_ =	sdelay $0x3  }
0x36: {  	p1 =	seq.s32 s10, $0x1;
	s10 =	sld [smem:$0x3FB0];
	_ =	sdelay $0x3  }
0x37: {  	[smem:$0x3FB0] =	sst s10  }
0x38: {  	s10 =	sld [smem:$0x3FB1]  }
0x39: {  	_ = 	snop;
	(pc) =	sbr.ind lr, $3  }
0x3a: {  	_ = 	snop  }
0x3b: {  	_ = 	snop  }
0x3c: {  	p2 =	seq.s32 s10, $0x1;
	s10 =	sld [smem:$0x3FB0]  }
0x3d: {  	_ =	shalt  }
0x3e: {  	_ =	shalt  }
0x3f: {  	_ =	shalt  }
0x40: {  	_ =	shalt  }
0x41: {  	_ =	shalt  }
0x42: {  	_ =	shalt  }
0x43: {  	_ =	shalt  }
0x44: {  	_ =	shalt  }
0x45: {  	_ =	shalt  }
0x46: {  	_ =	shalt  }
0x47: {  	_ =	shalt  }
0x48: {  	_ =	shalt  }
0x49: {  	_ =	shalt  }
0x4a: {  	_ =	shalt  }
0x4b: {  	_ =	shalt  }
0x4c: {  	_ =	shalt  }
0x4d: {  	_ =	shalt  }
0x4e: {  	_ =	shalt  }
0x4f: {  	_ =	shalt  }
0x50: {  	_ =	shalt  }
0x51: {  	_ =	shalt  }
0x52: {  	_ =	shalt  }
0x53: {  	_ =	shalt  }
0x54: {  	_ =	shalt  }
0x55: {  	_ =	shalt  }
0x56: {  	_ =	shalt  }
0x57: {  	_ =	shalt  }
0x58: {  	_ =	shalt  }
0x59: {  	_ =	shalt  }
0x5a: {  	_ =	shalt  }
0x5b: {  	_ =	shalt  }
0x5c: {  	_ =	shalt  }
0x5d: {  	_ =	shalt  }
0x5e: {  	_ =	shalt  }
0x5f: {  	_ =	shalt  }
0x60: {  	_ =	shalt  }
0x61: {  	_ =	shalt  }
0x62: {  	_ =	shalt  }
0x63: {  	_ =	shalt  }
0x64: {  	_ =	shalt  }
0x65: {  	_ =	shalt  }
0x66: {  	_ =	shalt  }
0x67: {  	_ =	shalt  }
0x68: {  	_ =	shalt  }
0x69: {  	_ =	shalt  }
0x6a: {  	_ =	shalt  }
0x6b: {  	_ =	shalt  }
0x6c: {  	_ =	shalt  }
0x6d: {  	_ =	shalt  }
0x6e: {  	_ =	shalt  }
0x6f: {  	_ =	shalt  }
0x70: {  	_ =	shalt  }
0x71: {  	_ =	shalt  }
0x72: {  	_ =	shalt  }
0x73: {  	_ =	shalt  }
0x74: {  	_ =	shalt  }
0x75: {  	_ =	shalt  }
0x76: {  	_ =	shalt  }
0x77: {  	_ =	shalt  }
0x78: {  	_ =	shalt  }
0x79: {  	_ =	shalt  }
0x7a: {  	_ =	shalt  }
0x7b: {  	_ =	shalt  }
0x7c: {  	_ =	shalt  }
0x7d: {  	_ =	shalt  }
0x7e: {  	_ =	shalt  }
0x7f: {  	_ =	shalt  }
0x80: {  	_ =	shalt  }
0x81: {  	_ =	shalt  }
0x82: {  	_ =	shalt  }
0x83: {  	_ =	shalt  }
0x84: {  	_ =	shalt  }
0x85: {  	_ =	shalt  }
0x86: {  	_ =	shalt  }
0x87: {  	_ =	shalt  }
.Lfunc_end0:
.L_simem_size_0:
called_computation_lowered:
.L_overlay_start_0:
0x88: {  	s2 =	sld [smem:$0x3FD9]  }
0x89: {  	s3 =	sld [smem:$0x3FFE];
	_ =	sdelay $0x1  }
0x8a: {  	s1 =	srdreg.scid  }
0x8b: {  	s0 =	sand.u32 $0x1, s1  }
0x8c: {  	s28 =	sshll.u32 s0, $0xA;
	s2 =	sadd.s32 s3, s2  }
0x8d: {  	s2 =	sadd.s32 s2, s28  }
0x8e: {  	[smem:$0x3FBC] =	sst s2  }
0x8f: {  	_ = 	snop  }
0x90: {  	s2 =	sld [smem:$0x3FC9]  }
0x91: {  	s3 =	sld [smem:$0x3FC8]  }
0x92: {  	s4 =	sld [smem:$0x3FC7]  }
0x93: {  	s5 =	sld [smem:$0x3FC6]  }
0x94: {  	s6 =	sld [smem:$0x3FC5]  }
0x95: {  	s7 =	sld [smem:$0x3FC4]  }
0x96: {  	s8 =	sld [smem:$0x3FC3]  }
0x97: {  	s9 =	sld [smem:$0x3FC2]  }
0x98: {  	s10 =	sld [smem:$0x3FC1]  }
0x99: {  	s14 =	sld [smem:$0x3FD0]  }
0x9a: {  	s11 =	sld [smem:$0x3FC0]  }
0x9b: {  	s12 =	sld [smem:$0x3FBF]  }
0x9c: {  	s16 =	simm.s32 $0xA;
	s15 =	simm.s32 $0x10;
	s13 =	sld [smem:$0x3FBE]  }
0x9d: {  	[smem:s15], [sflag:s16] =	dma.local [hbm:s14], $0x1  }
0x9e: {  	_ =	swait.eq [sflag:s16], $0x1  }
0x9f: {  	s14 =	sld [smem:$0x10]  }
0xa0: {  	s15 =	sld [smem:$0x11]  }
0xa1: {  	s17 =	sld [smem:$0x12]  }
0xa2: {  	s18 =	sld [smem:$0x13];
	[sflag:s16] =	ssyncset.done $0x0  }
0xa3: {  	s19 =	sld [smem:$0x14];
	[sflag:s16] =	ssyncadd.s32 $0xFFFFFFFF  }
0xa4: {  	s20 =	sld [smem:$0x15];
	(tm) =	ssettm $0x1  }
0xa5: {  	s29 =	sld [smem:$0x3FFB];
	_ =	sdelay $0x3  }
0xa6: {  	_ =	strace s29  }
0xa7: {  	s16 =	sld [smem:$0x3FFC];
	_ =	sdelay $0x3  }
0xa8: {  	_ =	strace s16  }
0xa9: {  	s16 =	sld [smem:$0x3FFD];
	_ =	sdelay $0x3  }
0xaa: {  	_ =	strace s16  }
0xab: {  	_ =	strace $0x8FFFFFFF  }
0xac: {  	s30 =	sld [smem:$0x3FDB];
	_ =	sdelay $0x1  }
0xad: {  	s21 =	simm.s32 $_scs_section_size  }
0xae: {  	s22 =	simm.s32 $_size__tile_task_arg_handler_lowered;
	s23 =	simm.s32 $_tile_task_arg_handler_lowered  }
0xaf: {  	s26 =	simm.s32 $0x1BFF;
	s25 =	sshll.u32 s23, $0x1;
	s21 =	sadd.s32 s21, s30  }
0xb0: {  	s24 =	simm.s32 $0x60;
	s31 =	sshll.u32 s22, $0x1;
	s22 =	sadd.s32 s25, s21  }
0xb1: {  	[timem:s24], [sflag:s26] =	dma.local [hbm:s22], s31  }
0xb2: {  	_ =	swait.ge [sflag:s26], s31  }
0xb3: {  	s28 =	simm.s32 $_tile_overlayer_lowered;
	s16 =	ssub.s32 $0x0, s31;
	[sflag:s26] =	ssyncset.done $0x0  }
0xb4: {  	s29 =	simm.s32 $_size__tile_overlayer_lowered;
	s22 =	sshll.u32 s28, $0x1;
	[sflag:s26] =	ssyncadd.s32 s16  }
0xb5: {  	s30 =	sshll.u32 s29, $0x1;
	s22 =	sadd.s32 s22, s21;
	s16 =	simm.s32 $0x0  }
0xb6: {  	[timem:s16], [sflag:s26] =	dma.local [hbm:s22], s30  }
0xb7: {  	_ =	swait.ge [sflag:s26], s30  }
0xb8: {  	s31 =	ssub.s32 $0x0, s30;
	[sflag:s26] =	ssyncset.done $0x0  }
0xb9: {  	[sflag:s26] =	ssyncadd.s32 s31;
	_ =	sdelay $0x1  }
0xba: {  	s24 =	simm.s32 $0x1B8B  }
0xbb: {  	_ =	swait.ge [sflag:s24], $0x1  }
0xbc: {  	[sflag:s24] =	ssyncset.done $0x0  }
0xbd: {  	s25 =	simm.s32 $0x1B8E;
	[sflag:s24] =	ssyncadd.s32 $0xFFFFFFFF  }
0xbe: {  	s26 =	simm.s32 $execute0_lowered;
	[smem:$0x3FD2] =	sst s25  }
0xbf: {  	s22 =	sshll.u32 s26, $0x1;
	_ =	strace $0x80000046;
	[dreg:$0x1] =	wrdreg $0xFFFFFFFF  }
0xc0: {  	s28 =	simm.s32 $_size_execute0_lowered;
	s21 =	sadd.s32 s21, s22;
	[dreg:$0x0] =	wrdreg $0x0  }
0xc1: {  	s22 =	sshll.u32 s28, $0x1;
	[dreg:$0x2] =	wrdreg s21  }
0xc2: {  	[dreg:$0x3] =	wrdreg s22  }
0xc3: {  	[dreg:$0x4] =	wrdreg $0xC0  }
0xc4: {  	_ =	task [dreg:s16], $0x5FFFF  }
0xc5: {  	[dreg:$0x1] =	wrdreg $0xFFFFFFFF  }
0xc6: {  	[dreg:$0x0] =	wrdreg $0x30  }
0xc7: {  	[dreg:$0x2] =	wrdreg $0x0  }
0xc8: {  	[dreg:$0x3] =	wrdreg s17  }
0xc9: {  	[dreg:$0x4] =	wrdreg s18  }
0xca: {  	[dreg:$0x5] =	wrdreg s19  }
0xcb: {  	[dreg:$0x6] =	wrdreg s20  }
0xcc: {  	[dreg:$0x7] =	wrdreg $0x9  }
0xcd: {  	_ =	task [dreg:s16], $0x8FFFF  }
0xce: {  	[dreg:$0x1] =	wrdreg $0xFFFFFFFF  }
0xcf: {  	[dreg:$0x0] =	wrdreg $0x60  }
0xd0: {  	[dreg:$0x2] =	wrdreg s2  }
0xd1: {  	[dreg:$0x3] =	wrdreg s3  }
0xd2: {  	[dreg:$0x4] =	wrdreg s4  }
0xd3: {  	[dreg:$0x5] =	wrdreg s5  }
0xd4: {  	[dreg:$0x6] =	wrdreg s6  }
0xd5: {  	[dreg:$0x7] =	wrdreg s7  }
0xd6: {  	[dreg:$0x8] =	wrdreg s8  }
0xd7: {  	[dreg:$0x9] =	wrdreg s9  }
0xd8: {  	[dreg:$0xa] =	wrdreg s10  }
0xd9: {  	[dreg:$0xb] =	wrdreg s11  }
0xda: {  	[dreg:$0xc] =	wrdreg s12  }
0xdb: {  	[dreg:$0xd] =	wrdreg s13  }
0xdc: {  	[dreg:$0xe] =	wrdreg s14  }
0xdd: {  	[dreg:$0xf] =	wrdreg s15  }
0xde: {  	_ =	task.clear_ibuf [dreg:s16], $0x10FFFF;
	_ =	strace $0x90000046  }
0xdf: {  	s29 =	simm.s32 $0x9;
	_ =	strace $0x80000048  }
0xe0: {  	_ =	swait.ge [sflag:s29], $0x1  }
0xe1: {  	[sflag:s29] =	ssyncadd.s32 $0xFFFFFFFF  }
0xe2: {  	_ =	strace $0x90000048  }
0xe3: {  	_ =	sfence  }
0xe4: {  	s30 =	sld [smem:$0x0];
	_ =	sdelay $0x2  }
0xe5: {  	s31 =	sshll.u32 s1, $0xD;
	s1 =	sshrl.u32 s1, $0x2  }
0xe6: {  	s3 =	sand.u32 $0x4000, s31;
	s1 =	sadd.s32 s1, s30  }
0xe7: {  	s0 =	sor.u32 s3, s0;
	s1 =	sshll.u32 s1, $0x11  }
0xe8: {  	s0 =	sor.u32 s1, s0  }
0xe9: {  	s0 =	sadd.s32 $0x8F2B, s0  }
0xea: {  	[sflag:s0] =	ssyncadd.remote.s32 $0x1  }
0xeb: {  	_ =	sfence.sel $0xFFFF  }
0xec: {  	[dreg:$0x0] =	wrdreg $0xFFFFFFFF;
	(pc) =	sbr.abs _section_cstart, $3  }
0xed: {  	[dreg:$0x1] =	wrdreg $0xFFFFFFFF  }
0xee: {  	_ =	task.clear_ibuf [dreg:s16], $0x2FFFF;
	_ =	strace $0x9FFFFFFF  }
0xef: {  	(tm) =	ssettm $0x7FFFFFFF  }
tec
_tile_task_arg_handler_lowered:
.L_overlay_start_1:
0x0: {  	(tag) =	ssettag $0x1  }
0x1: {  	s0 =	rddreg [dreg:$0x0]  }
0x2: {  	s1 =	rddreg [dreg:$0x1]  }
0x3: {  	s2 =	rddreg [dreg:$0x2]  }
0x4: {  	s3 =	rddreg [dreg:$0x3]  }
0x5: {  	s4 =	rddreg [dreg:$0x4]  }
0x6: {  	s5 =	rddreg [dreg:$0x5]  }
0x7: {  	s6 =	rddreg [dreg:$0x6]  }
0x8: {  	s7 =	rddreg [dreg:$0x7]  }
0x9: {  	s8 =	rddreg [dreg:$0x8]  }
0xa: {  	s9 =	rddreg [dreg:$0x9]  }
0xb: {  	s10 =	rddreg [dreg:$0xa]  }
0xc: {  	s11 =	rddreg [dreg:$0xb]  }
0xd: {  	s12 =	rddreg [dreg:$0xc]  }
0xe: {  	s13 =	rddreg [dreg:$0xd]  }
0xf: {  	[smem:s0] =	sst s1  }
0x10: {  	[smem:s0+$0x1] =	sst s2  }
0x11: {  	[smem:s0+$0x2] =	sst s3  }
0x12: {  	[smem:s0+$0x3] =	sst s4  }
0x13: {  	[smem:s0+$0x4] =	sst s5  }
0x14: {  	[smem:s0+$0x5] =	sst s6  }
0x15: {  	[smem:s0+$0x6] =	sst s7  }
0x16: {  	[smem:s0+$0x7] =	sst s8  }
0x17: {  	[smem:s0+$0x8] =	sst s9  }
0x18: {  	[smem:s0+$0x9] =	sst s10  }
0x19: {  	[smem:s0+$0xA] =	sst s11  }
0x1a: {  	[smem:s0+$0xB] =	sst s12  }
0x1b: {  	[smem:s0+$0xC] =	sst s13;
	_ =	shalt  }
.Lfunc_end2:
execute0_lowered:
.L_overlay_start_2:
0x1c: {  	(tag) =	ssettag $0x2  }
0x1d: {  	s0 =	rddreg [dreg:$0x0]  }
0x1e: {  	s2 =	rddreg [dreg:$0x1]  }
0x1f: {  	s5 =	rddreg [dreg:$0x2]  }
0x20: {  	s7 =	rddreg [dreg:$0x3]  }
0x21: {  	s8 =	rddreg [dreg:$0x4]  }
0x22: {  	s9 =	rddreg [dreg:$0x5]  }
0x23: {  	s24 =	rddreg [dreg:$0x6]  }
0x24: {  	s20 =	rddreg [dreg:$0x7]  }
0x25: {  	s13 =	rddreg [dreg:$0x8]  }
0x26: {  	s6 =	rddreg [dreg:$0x9]  }
0x27: {  	s4 =	rddreg [dreg:$0xa]  }
0x28: {  	s3 =	rddreg [dreg:$0xb]  }
0x29: {  	s10 =	rddreg [dreg:$0xc]  }
0x2a: {  	s11 =	rddreg [dreg:$0xd];
	s1 =	simm.s32 $0x0  }
0x2b: {  	[smem:$0x7FF] =	sst s1  }
0x2c: {  	s14 =	srdreg.scid;
	s12 =	sld [smem:$0x0]  }
0x2d: {  	s21 =	stileid.u32;
	s14 =	sand.u32 $0x1, s14;
	s15 =	sld [smem:$0x1]  }
0x2e: {  	s17 =	sshll.u32 s21, $0xA;
	s18 =	sshll.u32 s14, $0x9;
	s25 =	sld [smem:$0x4]  }
0x2f: {  	s16 =	sld [smem:$0x2];
	s17 =	sor.u32 s18, s17  }
0x30: {  	s19 =	sld [smem:$0x3];
	s26 =	sshrl.u32 s17, $0x3  }
0x31: {  	[smem:$0x7F2] =	sst s25;
	s0 =	sadd.s32 s0, s26  }
0x32: {  	s2 =	sadd.s32 s2, s26;
	_ =	strace $0x80000047;
	[dreg:$0xe] =	wrdreg s0  }
0x33: {  	s5 =	sadd.s32 s5, s26;
	[dreg:$0xf] =	wrdreg s2  }
0x34: {  	s7 =	sadd.s32 s7, s26;
	[dreg:$0x10] =	wrdreg s5  }
0x35: {  	s8 =	sadd.s32 s8, s26;
	[dreg:$0x11] =	wrdreg s7  }
0x36: {  	s22 =	sshll.u32 s17, $0x4;
	s18 =	sadd.s32 s9, s26;
	[dreg:$0x12] =	wrdreg s8  }
0x37: {  	s23 =	sadd.s32 s10, s22;
	[dreg:$0x13] =	wrdreg s18  }
0x38: {  	s26 =	sadd.s32 s11, s22;
	[dreg:$0x14] =	wrdreg s23  }
0x39: {  	[dreg:$0x16] =	wrdreg s26;
	s8 =	sadd.s32 s12, s22  }
0x3a: {  	s31 =	simm.s32 $0x200;
	s26 =	simm.s32 $0x100;
	[dreg:$0x18] =	wrdreg s8  }
0x3b: {  	s30 =	simm.s32 $0x400;
	s5 =	sor.u32 $0x1000, s22;
	[smem:$0x7F3] =	sst s26  }
0x3c: {  	s28 =	simm.s32 $0x600;
	s25 =	sadd.s32 s10, s5;
	s2 =	rddreg [dreg:$0xe]  }
0x3d: {  	p0 =	por $0x0, $0x0;
	s7 =	sadd.s32 s11, s5;
	[dreg:$0x15] =	wrdreg s25  }
0x3e: {  	s29 =	simm.s32 $0x980;
	s9 =	sadd.s32 s12, s5;
	[dreg:$0x17] =	wrdreg s7  }
0x3f: {  	s10 =	sadd.s32 s15, s22;
	s11 =	sadd.s32 s15, s5;
	[dreg:$0x19] =	wrdreg s9  }
0x40: {  	s12 =	sadd.s32 s16, s22;
	s15 =	ssub.s32 $0x2, s14;
	[dreg:$0x1a] =	wrdreg s10  }
0x41: {  	s17 =	sadd.s32 s16, s5;
	s22 =	sadd.s32 s19, s22;
	[dreg:$0x1b] =	wrdreg s11  }
0x42: {  	s14 =	simm.s32 $0xA00;
	s8 =	simm.s32 $0x280;
	[dreg:$0x1c] =	wrdreg s12  }
0x43: {  	s16 =	simm.s32 $0x500;
	s26 =	simm.s32 $0x780;
	[dreg:$0x1d] =	wrdreg s17  }
0x44: {  	s18 =	sshrl.u32 s15, $0x1;
	[dreg:$0x1e] =	wrdreg s22;
	s25 =	sadd.s32 s19, s5  }
0x45: {  	s5 =	simm.s32 $0x4;
	s19 =	simm.s32 $0x800;
	s7 =	simm.s32 $0x180  }
0x46: {  	s11 =	simm.s32 $0x80;
	s9 =	simm.s32 $0xC00;
	[smem:$0x7F5] =	sst s8  }
0x47: {  	s10 =	simm.s32 $0x300;
	s12 =	simm.s32 $0x380;
	[smem:$0x7F9] =	sst s16  }
0x48: {  	s8 =	simm.s32 $0x8C00;
	s17 =	simm.s32 $0xCC00;
	[smem:$0x7FD] =	sst s26  }
0x49: {  	s22 =	simm.s32 $0x580;
	s16 =	simm.s32 $0x14C00;
	[dreg:$0x1f] =	wrdreg s25  }
0x4a: {  	s26 =	simm.s32 $0x880;
	s23 =	ssub.s32 s15, s18;
	[smem:$0x7F4] =	sst s7  }
0x4b: {  	s18 =	simm.s32 $0x4C00;
	[smem:$0x7F6] =	sst s10;
	s0 =	smax.u32 s23, $0x1  }
0x4c: {  	[smem:$0x7F7] =	sst s12;
	s15 =	simm.s32 $0x480;
	p1 =	sne.s32 s0, $0x1  }
.Ltmp0:
0x4d: {  	s7 =	simm.s32 $0x10C00;
	[smem:$0x7FA] =	sst s22;
	(pc) =	sbr.rel @!p1 .LBB3_1-.Ltmp0, $4  }
0x4e: {  	s25 =	simm.s32 $0x700;
	s12 =	simm.s32 $0x2;
	s10 =	simm.s32 $0x3  }
0x4f: {  	s22 =	simm.s32 $0xB00;
	[smem:$0x7F8] =	sst s15;
	s23 =	simm.s32 $0x680  }
0x50: {  	s15 =	simm.s32 $0x1;
	[smem:$0x7FC] =	sst s25;
	s25 =	simm.s32 $0xA80  }
0x51: {  	[smem:$0x7FB] =	sst s23;
	s0 =	sadd.s32 $0xFFFFFFFF, s0;
	s23 =	simm.s32 $0xB80  }
0x52: {  	[tilespmem:s1], [sflag:$0x4] =	stream.linear.gather [hbm4b:s2+s1], $0x200, $0x38;
	[tilespmem:$0x18C00] =	vst v63  }
0x53: {  	_ =	swait.ge [sflag:s5], $0x200  }
0x54: {  	[sflag:s5] =	ssyncset.done $0x0  }
0x55: {  	s21 =	rddreg [dreg:$0xf];
	[sflag:s5] =	ssyncadd.s32 $0xFFFFFE00  }
0x56: {  	[tilespmem:s31], [sflag:$0x4] =	stream.linear.gather [hbm4b:s21+s1], $0x200, $0x38;
	[tilespmem:$0x18C00] =	vst v63  }
0x57: {  	_ =	swait.ge [sflag:s5], $0x200  }
0x58: {  	[sflag:s5] =	ssyncset.done $0x0  }
0x59: {  	s21 =	rddreg [dreg:$0x10];
	[sflag:s5] =	ssyncadd.s32 $0xFFFFFE00  }
0x5a: {  	[tilespmem:s30], [sflag:$0x4] =	stream.linear.gather [hbm4b:s21+s1], $0x200, $0x38;
	[tilespmem:$0x18C00] =	vst v63  }
0x5b: {  	_ =	swait.ge [sflag:s5], $0x200  }
0x5c: {  	[sflag:s5] =	ssyncset.done $0x0  }
0x5d: {  	s21 =	rddreg [dreg:$0x11];
	[sflag:s5] =	ssyncadd.s32 $0xFFFFFE00  }
0x5e: {  	[tilespmem:s28], [sflag:$0x4] =	stream.linear.gather [hbm4b:s21+s1], $0x200, $0x38;
	[tilespmem:$0x18C00] =	vst v63  }
0x5f: {  	_ =	swait.ge [sflag:s5], $0x200  }
0x60: {  	[sflag:s5] =	ssyncset.done $0x0  }
0x61: {  	s21 =	rddreg [dreg:$0x12];
	[sflag:s5] =	ssyncadd.s32 $0xFFFFFE00  }
0x62: {  	[tilespmem:s19], [sflag:$0x4] =	stream.linear.gather [hbm4b:s21+s1], $0x200, $0x38;
	[tilespmem:$0x18C00] =	vst v63  }
0x63: {  	_ =	swait.ge [sflag:s5], $0x200  }
0x64: {  	[sflag:s5] =	ssyncset.done $0x0  }
0x65: {  	s21 =	rddreg [dreg:$0x13];
	[sflag:s5] =	ssyncadd.s32 $0xFFFFFE00  }
0x66: {  	[tilespmem:s14], [sflag:$0x4] =	stream.linear.gather [hbm4b:s21+s1], $0x200, $0x38;
	[tilespmem:$0x18C00] =	vst v63  }
0x67: {  	_ =	swait.ge [sflag:s5], $0x200  }
0x68: {  	[sflag:s5] =	ssyncset.done $0x0  }
0x69: {  	[sflag:s5] =	ssyncadd.s32 $0xFFFFFE00  }
0x6a: {  	[tilespmem:s9], [sflag:$0x1] =	stream.indirect.gather [hbm4b:s24+s11], $0x80, s1, s11, $0xb8;
	[tilespmem:$0x18C00] =	vst v63  }
0x6b: {  	s2 =	sld [smem:$0x7F3]  }
0x6c: {  	[tilespmem:s18], [sflag:$0x1] =	stream.indirect.gather [hbm4b:s24+s11], $0x80, s11, s11, $0xb8;
	[tilespmem:$0x18C00] =	vst v63  }
0x6d: {  	s21 =	smov.u32 s0;
	s0 =	sld [smem:$0x7F4]  }
0x6e: {  	[tilespmem:s8], [sflag:$0x2] =	stream.indirect.gather [hbm4b:s24+s11], $0x80, s2, s11, $0xb8;
	[tilespmem:$0x18C00] =	vst v63  }
0x6f: {  	_ = 	snop  }
0x70: {  	[tilespmem:s17], [sflag:$0x2] =	stream.indirect.gather [hbm4b:s24+s11], $0x80, s0, s11, $0xb8;
	[tilespmem:$0x18C00] =	vst v63  }
0x71: {  	s2 =	sld [smem:$0x7F5]  }
0x72: {  	[tilespmem:s7], [sflag:$0x3] =	stream.indirect.gather [hbm4b:s20+s11], $0x80, s31, s11, $0xb8;
	[tilespmem:$0x18C00] =	vst v63  }
0x73: {  	_ = 	snop  }
0x74: {  	[tilespmem:s16], [sflag:$0x3] =	stream.indirect.gather [hbm4b:s20+s11], $0x80, s2, s11, $0xb8;
	[tilespmem:$0x18C00] =	vst v63  }
0x75: {  	_ =	swait.ge [sflag:s15], $0x4000  }
0x76: {  	[sflag:s15] =	ssyncset.done $0x0  }
0x77: {  	[sflag:s15] =	ssyncadd.s32 $0xFFFFC000  }
0x78: {  	_ =	swait.ge [sflag:s15], $0x4000  }
0x79: {  	[sflag:s15] =	ssyncset.done $0x0  }
0x7a: {  	s2 =	rddreg [dreg:$0x14];
	[sflag:s15] =	ssyncadd.s32 $0xFFFFC000  }
0x7b: {  	[hbm4b:s2+s1] =	stream.linear.scatter [tilespmem:s9], [sflag:$0x4], $0x8000, $0x38;
	[tilespmem:$0x18C00] =	vst v63  }
0x7c: {  	_ =	swait.ge [sflag:s5], $0x8000  }
0x7d: {  	s0 =	sld [smem:$0x7F6]  }
0x7e: {  	[sflag:s5] =	ssyncset.done $0x0  }
0x7f: {  	s2 =	sld [smem:$0x7F7];
	[sflag:s5] =	ssyncadd.s32 $0xFFFF8000  }
0x80: {  	[tilespmem:s9], [sflag:$0x1] =	stream.indirect.gather [hbm4b:s20+s11], $0x80, s0, s11, $0xb8;
	[tilespmem:$0x18C00] =	vst v63  }
0x81: {  	_ = 	snop  }
0x82: {  	[tilespmem:s18], [sflag:$0x1] =	stream.indirect.gather [hbm4b:s20+s11], $0x80, s2, s11, $0xb8;
	[tilespmem:$0x18C00] =	vst v63  }
0x83: {  	_ =	swait.ge [sflag:s12], $0x4000  }
0x84: {  	[sflag:s12] =	ssyncset.done $0x0  }
0x85: {  	[sflag:s12] =	ssyncadd.s32 $0xFFFFC000  }
0x86: {  	_ =	swait.ge [sflag:s12], $0x4000  }
0x87: {  	[sflag:s12] =	ssyncset.done $0x0  }
0x88: {  	s2 =	rddreg [dreg:$0x15];
	[sflag:s12] =	ssyncadd.s32 $0xFFFFC000  }
0x89: {  	[hbm4b:s2+s1] =	stream.linear.scatter [tilespmem:s8], [sflag:$0x4], $0x8000, $0x38;
	[tilespmem:$0x18C00] =	vst v63  }
0x8a: {  	_ =	swait.ge [sflag:s5], $0x8000  }
0x8b: {  	[sflag:s5] =	ssyncset.done $0x0  }
0x8c: {  	s2 =	sld [smem:$0x7F8];
	[sflag:s5] =	ssyncadd.s32 $0xFFFF8000  }
0x8d: {  	[tilespmem:s8], [sflag:$0x2] =	stream.indirect.gather [hbm4b:s13+s11], $0x80, s30, s11, $0xb8;
	[tilespmem:$0x18C00] =	vst v63  }
0x8e: {  	_ = 	snop  }
0x8f: {  	[tilespmem:s17], [sflag:$0x2] =	stream.indirect.gather [hbm4b:s13+s11], $0x80, s2, s11, $0xb8;
	[tilespmem:$0x18C00] =	vst v63  }
0x90: {  	_ =	swait.ge [sflag:s10], $0x4000  }
0x91: {  	[sflag:s10] =	ssyncset.done $0x0  }
0x92: {  	[sflag:s10] =	ssyncadd.s32 $0xFFFFC000  }
0x93: {  	_ =	swait.ge [sflag:s10], $0x4000  }
0x94: {  	[sflag:s10] =	ssyncset.done $0x0  }
0x95: {  	s2 =	rddreg [dreg:$0x16];
	[sflag:s10] =	ssyncadd.s32 $0xFFFFC000  }
0x96: {  	[hbm4b:s2+s1] =	stream.linear.scatter [tilespmem:s7], [sflag:$0x4], $0x8000, $0x38;
	[tilespmem:$0x18C00] =	vst v63  }
0x97: {  	_ =	swait.ge [sflag:s5], $0x8000  }
0x98: {  	s0 =	sld [smem:$0x7F9]  }
0x99: {  	[sflag:s5] =	ssyncset.done $0x0  }
0x9a: {  	s2 =	sld [smem:$0x7FA];
	[sflag:s5] =	ssyncadd.s32 $0xFFFF8000  }
0x9b: {  	[tilespmem:s7], [sflag:$0x3] =	stream.indirect.gather [hbm4b:s13+s11], $0x80, s0, s11, $0xb8;
	[tilespmem:$0x18C00] =	vst v63  }
0x9c: {  	_ = 	snop  }
0x9d: {  	[tilespmem:s16], [sflag:$0x3] =	stream.indirect.gather [hbm4b:s13+s11], $0x80, s2, s11, $0xb8;
	[tilespmem:$0x18C00] =	vst v63  }
0x9e: {  	_ =	swait.ge [sflag:s15], $0x4000  }
0x9f: {  	[sflag:s15] =	ssyncset.done $0x0  }
0xa0: {  	[sflag:s15] =	ssyncadd.s32 $0xFFFFC000  }
0xa1: {  	_ =	swait.ge [sflag:s15], $0x4000  }
0xa2: {  	[sflag:s15] =	ssyncset.done $0x0  }
0xa3: {  	s2 =	rddreg [dreg:$0x17];
	[sflag:s15] =	ssyncadd.s32 $0xFFFFC000  }
0xa4: {  	[hbm4b:s2+s1] =	stream.linear.scatter [tilespmem:s9], [sflag:$0x4], $0x8000, $0x38;
	[tilespmem:$0x18C00] =	vst v63  }
0xa5: {  	_ =	swait.ge [sflag:s5], $0x8000  }
0xa6: {  	[sflag:s5] =	ssyncset.done $0x0  }
0xa7: {  	s2 =	sld [smem:$0x7FB];
	[sflag:s5] =	ssyncadd.s32 $0xFFFF8000  }
0xa8: {  	[tilespmem:s9], [sflag:$0x1] =	stream.indirect.gather [hbm4b:s6+s11], $0x80, s28, s11, $0xb8;
	[tilespmem:$0x18C00] =	vst v63  }
0xa9: {  	_ = 	snop  }
0xaa: {  	[tilespmem:s18], [sflag:$0x1] =	stream.indirect.gather [hbm4b:s6+s11], $0x80, s2, s11, $0xb8;
	[tilespmem:$0x18C00] =	vst v63  }
0xab: {  	_ =	swait.ge [sflag:s12], $0x4000  }
0xac: {  	[sflag:s12] =	ssyncset.done $0x0  }
0xad: {  	[sflag:s12] =	ssyncadd.s32 $0xFFFFC000  }
0xae: {  	_ =	swait.ge [sflag:s12], $0x4000  }
0xaf: {  	[sflag:s12] =	ssyncset.done $0x0  }
0xb0: {  	s2 =	rddreg [dreg:$0x18];
	[sflag:s12] =	ssyncadd.s32 $0xFFFFC000  }
0xb1: {  	[hbm4b:s2+s1] =	stream.linear.scatter [tilespmem:s8], [sflag:$0x4], $0x8000, $0x38;
	[tilespmem:$0x18C00] =	vst v63  }
0xb2: {  	_ =	swait.ge [sflag:s5], $0x8000  }
0xb3: {  	s0 =	sld [smem:$0x7FC]  }
0xb4: {  	[sflag:s5] =	ssyncset.done $0x0  }
0xb5: {  	s2 =	sld [smem:$0x7FD];
	[sflag:s5] =	ssyncadd.s32 $0xFFFF8000  }
0xb6: {  	[tilespmem:s8], [sflag:$0x2] =	stream.indirect.gather [hbm4b:s6+s11], $0x80, s0, s11, $0xb8;
	[tilespmem:$0x18C00] =	vst v63  }
0xb7: {  	_ = 	snop  }
0xb8: {  	[tilespmem:s17], [sflag:$0x2] =	stream.indirect.gather [hbm4b:s6+s11], $0x80, s2, s11, $0xb8;
	[tilespmem:$0x18C00] =	vst v63  }
0xb9: {  	_ =	swait.ge [sflag:s10], $0x4000  }
0xba: {  	[sflag:s10] =	ssyncset.done $0x0  }
0xbb: {  	[sflag:s10] =	ssyncadd.s32 $0xFFFFC000  }
0xbc: {  	_ =	swait.ge [sflag:s10], $0x4000  }
0xbd: {  	[sflag:s10] =	ssyncset.done $0x0  }
0xbe: {  	s2 =	rddreg [dreg:$0x19];
	[sflag:s10] =	ssyncadd.s32 $0xFFFFC000  }
0xbf: {  	[hbm4b:s2+s1] =	stream.linear.scatter [tilespmem:s7], [sflag:$0x4], $0x8000, $0x38;
	[tilespmem:$0x18C00] =	vst v63  }
0xc0: {  	_ =	swait.ge [sflag:s5], $0x8000  }
0xc1: {  	[sflag:s5] =	ssyncset.done $0x0  }
0xc2: {  	[sflag:s5] =	ssyncadd.s32 $0xFFFF8000  }
0xc3: {  	[tilespmem:s7], [sflag:$0x3] =	stream.indirect.gather [hbm4b:s4+s11], $0x80, s19, s11, $0xb8;
	[tilespmem:$0x18C00] =	vst v63  }
0xc4: {  	_ = 	snop  }
0xc5: {  	[tilespmem:s16], [sflag:$0x3] =	stream.indirect.gather [hbm4b:s4+s11], $0x80, s26, s11, $0xb8;
	[tilespmem:$0x18C00] =	vst v63  }
0xc6: {  	_ =	swait.ge [sflag:s15], $0x4000  }
0xc7: {  	[sflag:s15] =	ssyncset.done $0x0  }
0xc8: {  	[sflag:s15] =	ssyncadd.s32 $0xFFFFC000  }
0xc9: {  	_ =	swait.ge [sflag:s15], $0x4000  }
0xca: {  	[sflag:s15] =	ssyncset.done $0x0  }
0xcb: {  	s2 =	rddreg [dreg:$0x1a];
	[sflag:s15] =	ssyncadd.s32 $0xFFFFC000  }
0xcc: {  	[hbm4b:s2+s1] =	stream.linear.scatter [tilespmem:s9], [sflag:$0x4], $0x8000, $0x38;
	[tilespmem:$0x18C00] =	vst v63  }
0xcd: {  	_ =	swait.ge [sflag:s5], $0x8000  }
0xce: {  	[sflag:s5] =	ssyncset.done $0x0  }
0xcf: {  	s2 =	simm.s32 $0x900;
	[sflag:s5] =	ssyncadd.s32 $0xFFFF8000  }
0xd0: {  	[tilespmem:s9], [sflag:$0x1] =	stream.indirect.gather [hbm4b:s4+s11], $0x80, s2, s11, $0xb8;
	[tilespmem:$0x18C00] =	vst v63  }
0xd1: {  	_ = 	snop  }
0xd2: {  	[tilespmem:s18], [sflag:$0x1] =	stream.indirect.gather [hbm4b:s4+s11], $0x80, s29, s11, $0xb8;
	[tilespmem:$0x18C00] =	vst v63  }
0xd3: {  	_ =	swait.ge [sflag:s12], $0x4000  }
0xd4: {  	[sflag:s12] =	ssyncset.done $0x0  }
0xd5: {  	[sflag:s12] =	ssyncadd.s32 $0xFFFFC000  }
0xd6: {  	_ =	swait.ge [sflag:s12], $0x4000  }
0xd7: {  	[sflag:s12] =	ssyncset.done $0x0  }
0xd8: {  	s2 =	rddreg [dreg:$0x1b];
	[sflag:s12] =	ssyncadd.s32 $0xFFFFC000  }
0xd9: {  	[hbm4b:s2+s1] =	stream.linear.scatter [tilespmem:s8], [sflag:$0x4], $0x8000, $0x38;
	[tilespmem:$0x18C00] =	vst v63  }
0xda: {  	_ =	swait.ge [sflag:s5], $0x8000  }
0xdb: {  	[sflag:s5] =	ssyncset.done $0x0  }
0xdc: {  	[sflag:s5] =	ssyncadd.s32 $0xFFFF8000  }
0xdd: {  	[tilespmem:s8], [sflag:$0x2] =	stream.indirect.gather [hbm4b:s3+s11], $0x80, s14, s11, $0xb8;
	[tilespmem:$0x18C00] =	vst v63  }
0xde: {  	_ = 	snop  }
0xdf: {  	[tilespmem:s17], [sflag:$0x2] =	stream.indirect.gather [hbm4b:s3+s11], $0x80, s25, s11, $0xb8;
	[tilespmem:$0x18C00] =	vst v63  }
0xe0: {  	_ =	swait.ge [sflag:s10], $0x4000  }
0xe1: {  	[sflag:s10] =	ssyncset.done $0x0  }
0xe2: {  	[sflag:s10] =	ssyncadd.s32 $0xFFFFC000  }
0xe3: {  	_ =	swait.ge [sflag:s10], $0x4000  }
0xe4: {  	[sflag:s10] =	ssyncset.done $0x0  }
0xe5: {  	s2 =	rddreg [dreg:$0x1c];
	[sflag:s10] =	ssyncadd.s32 $0xFFFFC000  }
0xe6: {  	[hbm4b:s2+s1] =	stream.linear.scatter [tilespmem:s7], [sflag:$0x4], $0x8000, $0x38;
	[tilespmem:$0x18C00] =	vst v63  }
0xe7: {  	_ =	swait.ge [sflag:s5], $0x8000  }
0xe8: {  	[sflag:s5] =	ssyncset.done $0x0  }
0xe9: {  	[sflag:s5] =	ssyncadd.s32 $0xFFFF8000  }
0xea: {  	[tilespmem:s7], [sflag:$0x3] =	stream.indirect.gather [hbm4b:s3+s11], $0x80, s22, s11, $0xb8;
	[tilespmem:$0x18C00] =	vst v63  }
0xeb: {  	_ = 	snop  }
0xec: {  	[tilespmem:s16], [sflag:$0x3] =	stream.indirect.gather [hbm4b:s3+s11], $0x80, s23, s11, $0xb8;
	[tilespmem:$0x18C00] =	vst v63  }
0xed: {  	_ =	swait.ge [sflag:s15], $0x4000  }
0xee: {  	[sflag:s15] =	ssyncset.done $0x0  }
0xef: {  	[sflag:s15] =	ssyncadd.s32 $0xFFFFC000  }
0xf0: {  	_ =	swait.ge [sflag:s15], $0x4000  }
0xf1: {  	[sflag:s15] =	ssyncset.done $0x0  }
0xf2: {  	s2 =	rddreg [dreg:$0x1d];
	[sflag:s15] =	ssyncadd.s32 $0xFFFFC000  }
0xf3: {  	[hbm4b:s2+s1] =	stream.linear.scatter [tilespmem:s9], [sflag:$0x4], $0x8000, $0x38;
	[tilespmem:$0x18C00] =	vst v63  }
0xf4: {  	_ =	swait.ge [sflag:s5], $0x8000  }
0xf5: {  	[sflag:s5] =	ssyncset.done $0x0  }
0xf6: {  	[sflag:s5] =	ssyncadd.s32 $0xFFFF8000  }
0xf7: {  	_ =	swait.ge [sflag:s12], $0x4000  }
0xf8: {  	[sflag:s12] =	ssyncset.done $0x0  }
0xf9: {  	[sflag:s12] =	ssyncadd.s32 $0xFFFFC000  }
0xfa: {  	_ =	swait.ge [sflag:s12], $0x4000  }
0xfb: {  	[sflag:s12] =	ssyncset.done $0x0  }
0xfc: {  	s2 =	rddreg [dreg:$0x1e];
	[sflag:s12] =	ssyncadd.s32 $0xFFFFC000  }
0xfd: {  	[hbm4b:s2+s1] =	stream.linear.scatter [tilespmem:s8], [sflag:$0x4], $0x8000, $0x38;
	[tilespmem:$0x18C00] =	vst v63  }
0xfe: {  	_ =	swait.ge [sflag:s5], $0x8000  }
0xff: {  	[sflag:s5] =	ssyncset.done $0x0  }
0x100: {  	[sflag:s5] =	ssyncadd.s32 $0xFFFF8000  }
0x101: {  	_ =	swait.ge [sflag:s10], $0x4000  }
0x102: {  	[sflag:s10] =	ssyncset.done $0x0  }
0x103: {  	[sflag:s10] =	ssyncadd.s32 $0xFFFFC000  }
0x104: {  	p1 =	sne.s32 s21, $0x1;
	_ =	swait.ge [sflag:s10], $0x4000  }
.Ltmp1:
0x105: {  	[sflag:s10] =	ssyncset.done $0x0;
	(pc) =	sbr.rel @!p1 .LBB3_3-.Ltmp1, $4  }
0x106: {  	s2 =	rddreg [dreg:$0x1f];
	[sflag:s10] =	ssyncadd.s32 $0xFFFFC000  }
0x107: {  	[hbm4b:s2+s1] =	stream.linear.scatter [tilespmem:s7], [sflag:$0x4], $0x8000, $0x38;
	[tilespmem:$0x18C00] =	vst v63  }
0x108: {  	p0 =	por $0x1, $0x1;
	_ =	swait.ge [sflag:s5], $0x8000  }
0x109: {  	s0 =	sadd.s32 $0xFFFFFFFF, s21;
	s2 =	rddreg [dreg:$0xe];
	[sflag:s5] =	ssyncset.done $0x0  }
.LBB3_4:
0x10a: {  	[sflag:s5] =	ssyncadd.s32 $0xFFFF8000  }
0x10b: {  	[tilespmem:s1], [sflag:$0x4] =	stream.linear.gather [hbm4b:s2+s1], $0x200, $0x38;
	[tilespmem:$0x18C00] =	vst v63  }
0x10c: {  	_ =	swait.ge [sflag:s5], $0x200  }
0x10d: {  	[sflag:s5] =	ssyncset.done $0x0  }
0x10e: {  	s21 =	rddreg [dreg:$0xf];
	[sflag:s5] =	ssyncadd.s32 $0xFFFFFE00  }
0x10f: {  	[tilespmem:s31], [sflag:$0x4] =	stream.linear.gather [hbm4b:s21+s1], $0x200, $0x38;
	[tilespmem:$0x18C00] =	vst v63  }
0x110: {  	_ =	swait.ge [sflag:s5], $0x200  }
0x111: {  	[sflag:s5] =	ssyncset.done $0x0  }
0x112: {  	s21 =	rddreg [dreg:$0x10];
	[sflag:s5] =	ssyncadd.s32 $0xFFFFFE00  }
0x113: {  	[tilespmem:s30], [sflag:$0x4] =	stream.linear.gather [hbm4b:s21+s1], $0x200, $0x38;
	[tilespmem:$0x18C00] =	vst v63  }
0x114: {  	_ =	swait.ge [sflag:s5], $0x200  }
0x115: {  	[sflag:s5] =	ssyncset.done $0x0  }
0x116: {  	s21 =	rddreg [dreg:$0x11];
	[sflag:s5] =	ssyncadd.s32 $0xFFFFFE00  }
0x117: {  	[tilespmem:s28], [sflag:$0x4] =	stream.linear.gather [hbm4b:s21+s1], $0x200, $0x38;
	[tilespmem:$0x18C00] =	vst v63  }
0x118: {  	_ =	swait.ge [sflag:s5], $0x200  }
0x119: {  	[sflag:s5] =	ssyncset.done $0x0  }
0x11a: {  	s21 =	rddreg [dreg:$0x12];
	[sflag:s5] =	ssyncadd.s32 $0xFFFFFE00  }
0x11b: {  	[tilespmem:s19], [sflag:$0x4] =	stream.linear.gather [hbm4b:s21+s1], $0x200, $0x38;
	[tilespmem:$0x18C00] =	vst v63  }
0x11c: {  	_ =	swait.ge [sflag:s5], $0x200  }
0x11d: {  	[sflag:s5] =	ssyncset.done $0x0  }
0x11e: {  	s21 =	rddreg [dreg:$0x13];
	[sflag:s5] =	ssyncadd.s32 $0xFFFFFE00  }
0x11f: {  	[tilespmem:s14], [sflag:$0x4] =	stream.linear.gather [hbm4b:s21+s1], $0x200, $0x38;
	[tilespmem:$0x18C00] =	vst v63  }
0x120: {  	_ =	swait.ge [sflag:s5], $0x200  }
0x121: {  	[sflag:s5] =	ssyncset.done $0x0  }
0x122: {  	[sflag:s5] =	ssyncadd.s32 $0xFFFFFE00  }
0x123: {  	[tilespmem:s9], [sflag:$0x1] =	stream.indirect.gather [hbm4b:s24+s11], $0x80, s1, s11, $0xb8;
	[tilespmem:$0x18C00] =	vst v63  }
0x124: {  	s2 =	sld [smem:$0x7F3]  }
0x125: {  	[tilespmem:s18], [sflag:$0x1] =	stream.indirect.gather [hbm4b:s24+s11], $0x80, s11, s11, $0xb8;
	[tilespmem:$0x18C00] =	vst v63  }
0x126: {  	s21 =	sld [smem:$0x7F4]  }
0x127: {  	[tilespmem:s8], [sflag:$0x2] =	stream.indirect.gather [hbm4b:s24+s11], $0x80, s2, s11, $0xb8;
	[tilespmem:$0x18C00] =	vst v63  }
0x128: {  	_ = 	snop  }
0x129: {  	[tilespmem:s17], [sflag:$0x2] =	stream.indirect.gather [hbm4b:s24+s11], $0x80, s21, s11, $0xb8;
	[tilespmem:$0x18C00] =	vst v63  }
0x12a: {  	s21 =	sld [smem:$0x7F5]  }
0x12b: {  	[tilespmem:s7], [sflag:$0x3] =	stream.indirect.gather [hbm4b:s20+s11], $0x80, s31, s11, $0xb8;
	[tilespmem:$0x18C00] =	vst v63  }
0x12c: {  	_ = 	snop  }
0x12d: {  	[tilespmem:s16], [sflag:$0x3] =	stream.indirect.gather [hbm4b:s20+s11], $0x80, s21, s11, $0xb8;
	[tilespmem:$0x18C00] =	vst v63  }
0x12e: {  	_ =	swait.ge [sflag:s15], $0x4000  }
0x12f: {  	[sflag:s15] =	ssyncset.done $0x0  }
0x130: {  	[sflag:s15] =	ssyncadd.s32 $0xFFFFC000  }
0x131: {  	_ =	swait.ge [sflag:s15], $0x4000  }
0x132: {  	[sflag:s15] =	ssyncset.done $0x0  }
0x133: {  	s21 =	rddreg [dreg:$0x14];
	[sflag:s15] =	ssyncadd.s32 $0xFFFFC000  }
0x134: {  	[hbm4b:s21+s1] =	stream.linear.scatter [tilespmem:s9], [sflag:$0x4], $0x8000, $0x38;
	[tilespmem:$0x18C00] =	vst v63  }
0x135: {  	_ =	swait.ge [sflag:s5], $0x8000  }
0x136: {  	s2 =	sld [smem:$0x7F6]  }
0x137: {  	[sflag:s5] =	ssyncset.done $0x0  }
0x138: {  	s21 =	sld [smem:$0x7F7];
	[sflag:s5] =	ssyncadd.s32 $0xFFFF8000  }
0x139: {  	[tilespmem:s9], [sflag:$0x1] =	stream.indirect.gather [hbm4b:s20+s11], $0x80, s2, s11, $0xb8;
	[tilespmem:$0x18C00] =	vst v63  }
0x13a: {  	_ = 	snop  }
0x13b: {  	[tilespmem:s18], [sflag:$0x1] =	stream.indirect.gather [hbm4b:s20+s11], $0x80, s21, s11, $0xb8;
	[tilespmem:$0x18C00] =	vst v63  }
0x13c: {  	_ =	swait.ge [sflag:s12], $0x4000  }
0x13d: {  	[sflag:s12] =	ssyncset.done $0x0  }
0x13e: {  	[sflag:s12] =	ssyncadd.s32 $0xFFFFC000  }
0x13f: {  	_ =	swait.ge [sflag:s12], $0x4000  }
0x140: {  	[sflag:s12] =	ssyncset.done $0x0  }
0x141: {  	s21 =	rddreg [dreg:$0x15];
	[sflag:s12] =	ssyncadd.s32 $0xFFFFC000  }
0x142: {  	[hbm4b:s21+s1] =	stream.linear.scatter [tilespmem:s8], [sflag:$0x4], $0x8000, $0x38;
	[tilespmem:$0x18C00] =	vst v63  }
0x143: {  	_ =	swait.ge [sflag:s5], $0x8000  }
0x144: {  	[sflag:s5] =	ssyncset.done $0x0  }
0x145: {  	s21 =	sld [smem:$0x7F8];
	[sflag:s5] =	ssyncadd.s32 $0xFFFF8000  }
0x146: {  	[tilespmem:s8], [sflag:$0x2] =	stream.indirect.gather [hbm4b:s13+s11], $0x80, s30, s11, $0xb8;
	[tilespmem:$0x18C00] =	vst v63  }
0x147: {  	_ = 	snop  }
0x148: {  	[tilespmem:s17], [sflag:$0x2] =	stream.indirect.gather [hbm4b:s13+s11], $0x80, s21, s11, $0xb8;
	[tilespmem:$0x18C00] =	vst v63  }
0x149: {  	_ =	swait.ge [sflag:s10], $0x4000  }
0x14a: {  	[sflag:s10] =	ssyncset.done $0x0  }
0x14b: {  	[sflag:s10] =	ssyncadd.s32 $0xFFFFC000  }
0x14c: {  	_ =	swait.ge [sflag:s10], $0x4000  }
0x14d: {  	[sflag:s10] =	ssyncset.done $0x0  }
0x14e: {  	s21 =	rddreg [dreg:$0x16];
	[sflag:s10] =	ssyncadd.s32 $0xFFFFC000  }
0x14f: {  	[hbm4b:s21+s1] =	stream.linear.scatter [tilespmem:s7], [sflag:$0x4], $0x8000, $0x38;
	[tilespmem:$0x18C00] =	vst v63  }
0x150: {  	_ =	swait.ge [sflag:s5], $0x8000  }
0x151: {  	s2 =	sld [smem:$0x7F9]  }
0x152: {  	[sflag:s5] =	ssyncset.done $0x0  }
0x153: {  	s21 =	sld [smem:$0x7FA];
	[sflag:s5] =	ssyncadd.s32 $0xFFFF8000  }
0x154: {  	[tilespmem:s7], [sflag:$0x3] =	stream.indirect.gather [hbm4b:s13+s11], $0x80, s2, s11, $0xb8;
	[tilespmem:$0x18C00] =	vst v63  }
0x155: {  	_ = 	snop  }
0x156: {  	[tilespmem:s16], [sflag:$0x3] =	stream.indirect.gather [hbm4b:s13+s11], $0x80, s21, s11, $0xb8;
	[tilespmem:$0x18C00] =	vst v63  }
0x157: {  	_ =	swait.ge [sflag:s15], $0x4000  }
0x158: {  	[sflag:s15] =	ssyncset.done $0x0  }
0x159: {  	[sflag:s15] =	ssyncadd.s32 $0xFFFFC000  }
0x15a: {  	_ =	swait.ge [sflag:s15], $0x4000  }
0x15b: {  	[sflag:s15] =	ssyncset.done $0x0  }
0x15c: {  	s21 =	rddreg [dreg:$0x17];
	[sflag:s15] =	ssyncadd.s32 $0xFFFFC000  }
0x15d: {  	[hbm4b:s21+s1] =	stream.linear.scatter [tilespmem:s9], [sflag:$0x4], $0x8000, $0x38;
	[tilespmem:$0x18C00] =	vst v63  }
0x15e: {  	_ =	swait.ge [sflag:s5], $0x8000  }
0x15f: {  	[sflag:s5] =	ssyncset.done $0x0  }
0x160: {  	s21 =	sld [smem:$0x7FB];
	[sflag:s5] =	ssyncadd.s32 $0xFFFF8000  }
0x161: {  	[tilespmem:s9], [sflag:$0x1] =	stream.indirect.gather [hbm4b:s6+s11], $0x80, s28, s11, $0xb8;
	[tilespmem:$0x18C00] =	vst v63  }
0x162: {  	_ = 	snop  }
0x163: {  	[tilespmem:s18], [sflag:$0x1] =	stream.indirect.gather [hbm4b:s6+s11], $0x80, s21, s11, $0xb8;
	[tilespmem:$0x18C00] =	vst v63  }
0x164: {  	_ =	swait.ge [sflag:s12], $0x4000  }
0x165: {  	[sflag:s12] =	ssyncset.done $0x0  }
0x166: {  	[sflag:s12] =	ssyncadd.s32 $0xFFFFC000  }
0x167: {  	_ =	swait.ge [sflag:s12], $0x4000  }
0x168: {  	[sflag:s12] =	ssyncset.done $0x0  }
0x169: {  	s21 =	rddreg [dreg:$0x18];
	[sflag:s12] =	ssyncadd.s32 $0xFFFFC000  }
0x16a: {  	[hbm4b:s21+s1] =	stream.linear.scatter [tilespmem:s8], [sflag:$0x4], $0x8000, $0x38;
	[tilespmem:$0x18C00] =	vst v63  }
0x16b: {  	_ =	swait.ge [sflag:s5], $0x8000  }
0x16c: {  	s2 =	sld [smem:$0x7FC]  }
0x16d: {  	[sflag:s5] =	ssyncset.done $0x0  }
0x16e: {  	s21 =	sld [smem:$0x7FD];
	[sflag:s5] =	ssyncadd.s32 $0xFFFF8000  }
0x16f: {  	[tilespmem:s8], [sflag:$0x2] =	stream.indirect.gather [hbm4b:s6+s11], $0x80, s2, s11, $0xb8;
	[tilespmem:$0x18C00] =	vst v63  }
0x170: {  	_ = 	snop  }
0x171: {  	[tilespmem:s17], [sflag:$0x2] =	stream.indirect.gather [hbm4b:s6+s11], $0x80, s21, s11, $0xb8;
	[tilespmem:$0x18C00] =	vst v63  }
0x172: {  	_ =	swait.ge [sflag:s10], $0x4000  }
0x173: {  	[sflag:s10] =	ssyncset.done $0x0  }
0x174: {  	[sflag:s10] =	ssyncadd.s32 $0xFFFFC000  }
0x175: {  	_ =	swait.ge [sflag:s10], $0x4000  }
0x176: {  	[sflag:s10] =	ssyncset.done $0x0  }
0x177: {  	s21 =	rddreg [dreg:$0x19];
	[sflag:s10] =	ssyncadd.s32 $0xFFFFC000  }
0x178: {  	[hbm4b:s21+s1] =	stream.linear.scatter [tilespmem:s7], [sflag:$0x4], $0x8000, $0x38;
	[tilespmem:$0x18C00] =	vst v63  }
0x179: {  	_ =	swait.ge [sflag:s5], $0x8000  }
0x17a: {  	[sflag:s5] =	ssyncset.done $0x0  }
0x17b: {  	[sflag:s5] =	ssyncadd.s32 $0xFFFF8000  }
0x17c: {  	[tilespmem:s7], [sflag:$0x3] =	stream.indirect.gather [hbm4b:s4+s11], $0x80, s19, s11, $0xb8;
	[tilespmem:$0x18C00] =	vst v63  }
0x17d: {  	_ = 	snop  }
0x17e: {  	[tilespmem:s16], [sflag:$0x3] =	stream.indirect.gather [hbm4b:s4+s11], $0x80, s26, s11, $0xb8;
	[tilespmem:$0x18C00] =	vst v63  }
0x17f: {  	_ =	swait.ge [sflag:s15], $0x4000  }
0x180: {  	[sflag:s15] =	ssyncset.done $0x0  }
0x181: {  	[sflag:s15] =	ssyncadd.s32 $0xFFFFC000  }
0x182: {  	_ =	swait.ge [sflag:s15], $0x4000  }
0x183: {  	[sflag:s15] =	ssyncset.done $0x0  }
0x184: {  	s21 =	rddreg [dreg:$0x1a];
	[sflag:s15] =	ssyncadd.s32 $0xFFFFC000  }
0x185: {  	[hbm4b:s21+s1] =	stream.linear.scatter [tilespmem:s9], [sflag:$0x4], $0x8000, $0x38;
	[tilespmem:$0x18C00] =	vst v63  }
0x186: {  	_ =	swait.ge [sflag:s5], $0x8000  }
0x187: {  	[sflag:s5] =	ssyncset.done $0x0  }
0x188: {  	s21 =	simm.s32 $0x900;
	[sflag:s5] =	ssyncadd.s32 $0xFFFF8000  }
0x189: {  	[tilespmem:s9], [sflag:$0x1] =	stream.indirect.gather [hbm4b:s4+s11], $0x80, s21, s11, $0xb8;
	[tilespmem:$0x18C00] =	vst v63  }
0x18a: {  	_ = 	snop  }
0x18b: {  	[tilespmem:s18], [sflag:$0x1] =	stream.indirect.gather [hbm4b:s4+s11], $0x80, s29, s11, $0xb8;
	[tilespmem:$0x18C00] =	vst v63  }
0x18c: {  	_ =	swait.ge [sflag:s12], $0x4000  }
0x18d: {  	[sflag:s12] =	ssyncset.done $0x0  }
0x18e: {  	[sflag:s12] =	ssyncadd.s32 $0xFFFFC000  }
0x18f: {  	_ =	swait.ge [sflag:s12], $0x4000  }
0x190: {  	[sflag:s12] =	ssyncset.done $0x0  }
0x191: {  	s21 =	rddreg [dreg:$0x1b];
	[sflag:s12] =	ssyncadd.s32 $0xFFFFC000  }
0x192: {  	[hbm4b:s21+s1] =	stream.linear.scatter [tilespmem:s8], [sflag:$0x4], $0x8000, $0x38;
	[tilespmem:$0x18C00] =	vst v63  }
0x193: {  	_ =	swait.ge [sflag:s5], $0x8000  }
0x194: {  	[sflag:s5] =	ssyncset.done $0x0  }
0x195: {  	[sflag:s5] =	ssyncadd.s32 $0xFFFF8000  }
0x196: {  	[tilespmem:s8], [sflag:$0x2] =	stream.indirect.gather [hbm4b:s3+s11], $0x80, s14, s11, $0xb8;
	[tilespmem:$0x18C00] =	vst v63  }
0x197: {  	_ = 	snop  }
0x198: {  	[tilespmem:s17], [sflag:$0x2] =	stream.indirect.gather [hbm4b:s3+s11], $0x80, s25, s11, $0xb8;
	[tilespmem:$0x18C00] =	vst v63  }
0x199: {  	_ =	swait.ge [sflag:s10], $0x4000  }
0x19a: {  	[sflag:s10] =	ssyncset.done $0x0  }
0x19b: {  	[sflag:s10] =	ssyncadd.s32 $0xFFFFC000  }
0x19c: {  	_ =	swait.ge [sflag:s10], $0x4000  }
0x19d: {  	[sflag:s10] =	ssyncset.done $0x0  }
0x19e: {  	s21 =	rddreg [dreg:$0x1c];
	[sflag:s10] =	ssyncadd.s32 $0xFFFFC000  }
0x19f: {  	[hbm4b:s21+s1] =	stream.linear.scatter [tilespmem:s7], [sflag:$0x4], $0x8000, $0x38;
	[tilespmem:$0x18C00] =	vst v63  }
0x1a0: {  	_ =	swait.ge [sflag:s5], $0x8000  }
0x1a1: {  	[sflag:s5] =	ssyncset.done $0x0  }
0x1a2: {  	[sflag:s5] =	ssyncadd.s32 $0xFFFF8000  }
0x1a3: {  	[tilespmem:s7], [sflag:$0x3] =	stream.indirect.gather [hbm4b:s3+s11], $0x80, s22, s11, $0xb8;
	[tilespmem:$0x18C00] =	vst v63  }
0x1a4: {  	_ = 	snop  }
0x1a5: {  	[tilespmem:s16], [sflag:$0x3] =	stream.indirect.gather [hbm4b:s3+s11], $0x80, s23, s11, $0xb8;
	[tilespmem:$0x18C00] =	vst v63  }
0x1a6: {  	_ =	swait.ge [sflag:s15], $0x4000  }
0x1a7: {  	[sflag:s15] =	ssyncset.done $0x0  }
0x1a8: {  	[sflag:s15] =	ssyncadd.s32 $0xFFFFC000  }
0x1a9: {  	_ =	swait.ge [sflag:s15], $0x4000  }
0x1aa: {  	[sflag:s15] =	ssyncset.done $0x0  }
0x1ab: {  	s21 =	rddreg [dreg:$0x1d];
	[sflag:s15] =	ssyncadd.s32 $0xFFFFC000  }
0x1ac: {  	[hbm4b:s21+s1] =	stream.linear.scatter [tilespmem:s9], [sflag:$0x4], $0x8000, $0x38;
	[tilespmem:$0x18C00] =	vst v63  }
0x1ad: {  	_ =	swait.ge [sflag:s5], $0x8000  }
0x1ae: {  	[sflag:s5] =	ssyncset.done $0x0  }
0x1af: {  	[sflag:s5] =	ssyncadd.s32 $0xFFFF8000  }
0x1b0: {  	_ =	swait.ge [sflag:s12], $0x4000  }
0x1b1: {  	[sflag:s12] =	ssyncset.done $0x0  }
0x1b2: {  	[sflag:s12] =	ssyncadd.s32 $0xFFFFC000  }
0x1b3: {  	_ =	swait.ge [sflag:s12], $0x4000  }
0x1b4: {  	[sflag:s12] =	ssyncset.done $0x0  }
0x1b5: {  	s21 =	rddreg [dreg:$0x1e];
	[sflag:s12] =	ssyncadd.s32 $0xFFFFC000  }
0x1b6: {  	[hbm4b:s21+s1] =	stream.linear.scatter [tilespmem:s8], [sflag:$0x4], $0x8000, $0x38;
	[tilespmem:$0x18C00] =	vst v63  }
0x1b7: {  	_ =	swait.ge [sflag:s5], $0x8000  }
0x1b8: {  	[sflag:s5] =	ssyncset.done $0x0  }
0x1b9: {  	[sflag:s5] =	ssyncadd.s32 $0xFFFF8000  }
0x1ba: {  	_ =	swait.ge [sflag:s10], $0x4000  }
0x1bb: {  	[sflag:s10] =	ssyncset.done $0x0  }
0x1bc: {  	[sflag:s10] =	ssyncadd.s32 $0xFFFFC000  }
0x1bd: {  	p1 =	sne.s32 s0, $0x1;
	_ =	swait.ge [sflag:s10], $0x4000  }
.Ltmp2:
0x1be: {  	[sflag:s10] =	ssyncset.done $0x0;
	(pc) =	sbr.rel @p1 .LBB3_4-.Ltmp2, $4  }
0x1bf: {  	s21 =	rddreg [dreg:$0x1f];
	[sflag:s10] =	ssyncadd.s32 $0xFFFFC000  }
0x1c0: {  	[hbm4b:s21+s1] =	stream.linear.scatter [tilespmem:s7], [sflag:$0x4], $0x8000, $0x38;
	[tilespmem:$0x18C00] =	vst v63  }
0x1c1: {  	_ =	swait.ge [sflag:s5], $0x8000  }
0x1c2: {  	s0 =	sadd.s32 $0xFFFFFFFF, s0;
	s2 =	rddreg [dreg:$0xe];
	[sflag:s5] =	ssyncset.done $0x0  }
0x1c3: {  	s23 =	simm.s32 $0x880;
	s29 =	simm.s32 $0x980;
	s26 =	simm.s32 $0x900  }
0x1c4: {  	s25 =	simm.s32 $0xA80;
	s22 =	simm.s32 $0xB00;
	s21 =	stileid.u32  }
.LBB3_6:
0x1c5: {  	[sflag:s5] =	ssyncadd.s32 @p0 $0xFFFF8000  }
0x1c6: {  	[tilespmem:s1], [sflag:$0x4] =	stream.linear.gather [hbm4b:s2+s1], $0x200, $0x38;
	[tilespmem:$0x18C00] =	vst v63  }
0x1c7: {  	_ =	swait.ge [sflag:s5], $0x200  }
0x1c8: {  	[sflag:s5] =	ssyncset.done $0x0  }
0x1c9: {  	s0 =	rddreg [dreg:$0xf];
	[sflag:s5] =	ssyncadd.s32 $0xFFFFFE00  }
0x1ca: {  	[tilespmem:s31], [sflag:$0x4] =	stream.linear.gather [hbm4b:s0+s1], $0x200, $0x38;
	[tilespmem:$0x18C00] =	vst v63  }
0x1cb: {  	_ =	swait.ge [sflag:s5], $0x200  }
0x1cc: {  	[sflag:s5] =	ssyncset.done $0x0  }
0x1cd: {  	s2 =	rddreg [dreg:$0x10];
	[sflag:s5] =	ssyncadd.s32 $0xFFFFFE00  }
0x1ce: {  	[tilespmem:s30], [sflag:$0x4] =	stream.linear.gather [hbm4b:s2+s1], $0x200, $0x38;
	[tilespmem:$0x18C00] =	vst v63  }
0x1cf: {  	_ =	swait.ge [sflag:s5], $0x200  }
0x1d0: {  	[sflag:s5] =	ssyncset.done $0x0  }
0x1d1: {  	s2 =	rddreg [dreg:$0x11];
	[sflag:s5] =	ssyncadd.s32 $0xFFFFFE00  }
0x1d2: {  	[tilespmem:s28], [sflag:$0x4] =	stream.linear.gather [hbm4b:s2+s1], $0x200, $0x38;
	[tilespmem:$0x18C00] =	vst v63  }
0x1d3: {  	_ =	swait.ge [sflag:s5], $0x200  }
0x1d4: {  	[sflag:s5] =	ssyncset.done $0x0  }
0x1d5: {  	s2 =	rddreg [dreg:$0x12];
	[sflag:s5] =	ssyncadd.s32 $0xFFFFFE00  }
0x1d6: {  	[tilespmem:s19], [sflag:$0x4] =	stream.linear.gather [hbm4b:s2+s1], $0x200, $0x38;
	[tilespmem:$0x18C00] =	vst v63  }
0x1d7: {  	_ =	swait.ge [sflag:s5], $0x200  }
0x1d8: {  	[sflag:s5] =	ssyncset.done $0x0  }
0x1d9: {  	s2 =	rddreg [dreg:$0x13];
	[sflag:s5] =	ssyncadd.s32 $0xFFFFFE00  }
0x1da: {  	[tilespmem:s14], [sflag:$0x4] =	stream.linear.gather [hbm4b:s2+s1], $0x200, $0x38;
	[tilespmem:$0x18C00] =	vst v63  }
0x1db: {  	_ =	swait.ge [sflag:s5], $0x200  }
0x1dc: {  	[sflag:s5] =	ssyncset.done $0x0  }
0x1dd: {  	[sflag:s5] =	ssyncadd.s32 $0xFFFFFE00  }
0x1de: {  	[tilespmem:s9], [sflag:$0x1] =	stream.indirect.gather [hbm4b:s24+s11], $0x80, s1, s11, $0xb8;
	[tilespmem:$0x18C00] =	vst v63  }
0x1df: {  	s0 =	sld [smem:$0x7F3]  }
0x1e0: {  	[tilespmem:s18], [sflag:$0x1] =	stream.indirect.gather [hbm4b:s24+s11], $0x80, s11, s11, $0xb8;
	[tilespmem:$0x18C00] =	vst v63  }
0x1e1: {  	s2 =	sld [smem:$0x7F4]  }
0x1e2: {  	[tilespmem:s8], [sflag:$0x2] =	stream.indirect.gather [hbm4b:s24+s11], $0x80, s0, s11, $0xb8;
	[tilespmem:$0x18C00] =	vst v63  }
0x1e3: {  	_ = 	snop  }
0x1e4: {  	[tilespmem:s17], [sflag:$0x2] =	stream.indirect.gather [hbm4b:s24+s11], $0x80, s2, s11, $0xb8;
	[tilespmem:$0x18C00] =	vst v63  }
0x1e5: {  	s24 =	sld [smem:$0x7F5]  }
0x1e6: {  	[tilespmem:s7], [sflag:$0x3] =	stream.indirect.gather [hbm4b:s20+s11], $0x80, s31, s11, $0xb8;
	[tilespmem:$0x18C00] =	vst v63  }
0x1e7: {  	_ = 	snop  }
0x1e8: {  	[tilespmem:s16], [sflag:$0x3] =	stream.indirect.gather [hbm4b:s20+s11], $0x80, s24, s11, $0xb8;
	[tilespmem:$0x18C00] =	vst v63  }
0x1e9: {  	_ =	swait.ge [sflag:s15], $0x4000  }
0x1ea: {  	[sflag:s15] =	ssyncset.done $0x0  }
0x1eb: {  	[sflag:s15] =	ssyncadd.s32 $0xFFFFC000  }
0x1ec: {  	_ =	swait.ge [sflag:s15], $0x4000  }
0x1ed: {  	[sflag:s15] =	ssyncset.done $0x0  }
0x1ee: {  	s2 =	rddreg [dreg:$0x14];
	[sflag:s15] =	ssyncadd.s32 $0xFFFFC000  }
0x1ef: {  	[hbm4b:s2+s1] =	stream.linear.scatter [tilespmem:s9], [sflag:$0x4], $0x8000, $0x38;
	[tilespmem:$0x18C00] =	vst v63  }
0x1f0: {  	_ =	swait.ge [sflag:s5], $0x8000  }
0x1f1: {  	s24 =	sld [smem:$0x7F6]  }
0x1f2: {  	[sflag:s5] =	ssyncset.done $0x0  }
0x1f3: {  	s31 =	sld [smem:$0x7F7];
	[sflag:s5] =	ssyncadd.s32 $0xFFFF8000  }
0x1f4: {  	[tilespmem:s9], [sflag:$0x1] =	stream.indirect.gather [hbm4b:s20+s11], $0x80, s24, s11, $0xb8;
	[tilespmem:$0x18C00] =	vst v63  }
0x1f5: {  	_ = 	snop  }
0x1f6: {  	[tilespmem:s18], [sflag:$0x1] =	stream.indirect.gather [hbm4b:s20+s11], $0x80, s31, s11, $0xb8;
	[tilespmem:$0x18C00] =	vst v63  }
0x1f7: {  	_ =	swait.ge [sflag:s12], $0x4000  }
0x1f8: {  	[sflag:s12] =	ssyncset.done $0x0  }
0x1f9: {  	[sflag:s12] =	ssyncadd.s32 $0xFFFFC000  }
0x1fa: {  	_ =	swait.ge [sflag:s12], $0x4000  }
0x1fb: {  	[sflag:s12] =	ssyncset.done $0x0  }
0x1fc: {  	s20 =	rddreg [dreg:$0x15];
	[sflag:s12] =	ssyncadd.s32 $0xFFFFC000  }
0x1fd: {  	[hbm4b:s20+s1] =	stream.linear.scatter [tilespmem:s8], [sflag:$0x4], $0x8000, $0x38;
	[tilespmem:$0x18C00] =	vst v63  }
0x1fe: {  	_ =	swait.ge [sflag:s5], $0x8000  }
0x1ff: {  	[sflag:s5] =	ssyncset.done $0x0  }
0x200: {  	s24 =	sld [smem:$0x7F8];
	[sflag:s5] =	ssyncadd.s32 $0xFFFF8000  }
0x201: {  	[tilespmem:s8], [sflag:$0x2] =	stream.indirect.gather [hbm4b:s13+s11], $0x80, s30, s11, $0xb8;
	[tilespmem:$0x18C00] =	vst v63  }
0x202: {  	_ = 	snop  }
0x203: {  	[tilespmem:s17], [sflag:$0x2] =	stream.indirect.gather [hbm4b:s13+s11], $0x80, s24, s11, $0xb8;
	[tilespmem:$0x18C00] =	vst v63  }
0x204: {  	_ =	swait.ge [sflag:s10], $0x4000  }
0x205: {  	[sflag:s10] =	ssyncset.done $0x0  }
0x206: {  	[sflag:s10] =	ssyncadd.s32 $0xFFFFC000  }
0x207: {  	_ =	swait.ge [sflag:s10], $0x4000  }
0x208: {  	[sflag:s10] =	ssyncset.done $0x0  }
0x209: {  	s31 =	rddreg [dreg:$0x16];
	[sflag:s10] =	ssyncadd.s32 $0xFFFFC000  }
0x20a: {  	[hbm4b:s31+s1] =	stream.linear.scatter [tilespmem:s7], [sflag:$0x4], $0x8000, $0x38;
	[tilespmem:$0x18C00] =	vst v63  }
0x20b: {  	_ =	swait.ge [sflag:s5], $0x8000  }
0x20c: {  	s2 =	sld [smem:$0x7F9]  }
0x20d: {  	[sflag:s5] =	ssyncset.done $0x0  }
0x20e: {  	s20 =	sld [smem:$0x7FA];
	[sflag:s5] =	ssyncadd.s32 $0xFFFF8000  }
0x20f: {  	[tilespmem:s7], [sflag:$0x3] =	stream.indirect.gather [hbm4b:s13+s11], $0x80, s2, s11, $0xb8;
	[tilespmem:$0x18C00] =	vst v63  }
0x210: {  	_ = 	snop  }
0x211: {  	[tilespmem:s16], [sflag:$0x3] =	stream.indirect.gather [hbm4b:s13+s11], $0x80, s20, s11, $0xb8;
	[tilespmem:$0x18C00] =	vst v63  }
0x212: {  	_ =	swait.ge [sflag:s15], $0x4000  }
0x213: {  	[sflag:s15] =	ssyncset.done $0x0  }
0x214: {  	[sflag:s15] =	ssyncadd.s32 $0xFFFFC000  }
0x215: {  	_ =	swait.ge [sflag:s15], $0x4000  }
0x216: {  	[sflag:s15] =	ssyncset.done $0x0  }
0x217: {  	s24 =	rddreg [dreg:$0x17];
	[sflag:s15] =	ssyncadd.s32 $0xFFFFC000  }
0x218: {  	[hbm4b:s24+s1] =	stream.linear.scatter [tilespmem:s9], [sflag:$0x4], $0x8000, $0x38;
	[tilespmem:$0x18C00] =	vst v63  }
0x219: {  	_ =	swait.ge [sflag:s5], $0x8000  }
0x21a: {  	[sflag:s5] =	ssyncset.done $0x0  }
0x21b: {  	s30 =	sld [smem:$0x7FB];
	[sflag:s5] =	ssyncadd.s32 $0xFFFF8000  }
0x21c: {  	[tilespmem:s9], [sflag:$0x1] =	stream.indirect.gather [hbm4b:s6+s11], $0x80, s28, s11, $0xb8;
	[tilespmem:$0x18C00] =	vst v63  }
0x21d: {  	_ = 	snop  }
0x21e: {  	[tilespmem:s18], [sflag:$0x1] =	stream.indirect.gather [hbm4b:s6+s11], $0x80, s30, s11, $0xb8;
	[tilespmem:$0x18C00] =	vst v63  }
0x21f: {  	_ =	swait.ge [sflag:s12], $0x4000  }
0x220: {  	[sflag:s12] =	ssyncset.done $0x0  }
0x221: {  	[sflag:s12] =	ssyncadd.s32 $0xFFFFC000  }
0x222: {  	_ =	swait.ge [sflag:s12], $0x4000  }
0x223: {  	[sflag:s12] =	ssyncset.done $0x0  }
0x224: {  	s31 =	rddreg [dreg:$0x18];
	[sflag:s12] =	ssyncadd.s32 $0xFFFFC000  }
0x225: {  	[hbm4b:s31+s1] =	stream.linear.scatter [tilespmem:s8], [sflag:$0x4], $0x8000, $0x38;
	[tilespmem:$0x18C00] =	vst v63  }
0x226: {  	_ =	swait.ge [sflag:s5], $0x8000  }
0x227: {  	s2 =	sld [smem:$0x7FC]  }
0x228: {  	[sflag:s5] =	ssyncset.done $0x0  }
0x229: {  	s13 =	sld [smem:$0x7FD];
	[sflag:s5] =	ssyncadd.s32 $0xFFFF8000  }
0x22a: {  	[tilespmem:s8], [sflag:$0x2] =	stream.indirect.gather [hbm4b:s6+s11], $0x80, s2, s11, $0xb8;
	[tilespmem:$0x18C00] =	vst v63  }
0x22b: {  	_ = 	snop  }
0x22c: {  	[tilespmem:s17], [sflag:$0x2] =	stream.indirect.gather [hbm4b:s6+s11], $0x80, s13, s11, $0xb8;
	[tilespmem:$0x18C00] =	vst v63  }
0x22d: {  	_ =	swait.ge [sflag:s10], $0x4000  }
0x22e: {  	[sflag:s10] =	ssyncset.done $0x0  }
0x22f: {  	[sflag:s10] =	ssyncadd.s32 $0xFFFFC000  }
0x230: {  	_ =	swait.ge [sflag:s10], $0x4000  }
0x231: {  	[sflag:s10] =	ssyncset.done $0x0  }
0x232: {  	s20 =	rddreg [dreg:$0x19];
	[sflag:s10] =	ssyncadd.s32 $0xFFFFC000  }
0x233: {  	[hbm4b:s20+s1] =	stream.linear.scatter [tilespmem:s7], [sflag:$0x4], $0x8000, $0x38;
	[tilespmem:$0x18C00] =	vst v63  }
0x234: {  	_ =	swait.ge [sflag:s5], $0x8000  }
0x235: {  	[sflag:s5] =	ssyncset.done $0x0  }
0x236: {  	[sflag:s5] =	ssyncadd.s32 $0xFFFF8000  }
0x237: {  	[tilespmem:s7], [sflag:$0x3] =	stream.indirect.gather [hbm4b:s4+s11], $0x80, s19, s11, $0xb8;
	[tilespmem:$0x18C00] =	vst v63  }
0x238: {  	_ = 	snop  }
0x239: {  	[tilespmem:s16], [sflag:$0x3] =	stream.indirect.gather [hbm4b:s4+s11], $0x80, s23, s11, $0xb8;
	[tilespmem:$0x18C00] =	vst v63  }
0x23a: {  	_ =	swait.ge [sflag:s15], $0x4000  }
0x23b: {  	[sflag:s15] =	ssyncset.done $0x0  }
0x23c: {  	[sflag:s15] =	ssyncadd.s32 $0xFFFFC000  }
0x23d: {  	_ =	swait.ge [sflag:s15], $0x4000  }
0x23e: {  	[sflag:s15] =	ssyncset.done $0x0  }
0x23f: {  	s23 =	rddreg [dreg:$0x1a];
	[sflag:s15] =	ssyncadd.s32 $0xFFFFC000  }
0x240: {  	[hbm4b:s23+s1] =	stream.linear.scatter [tilespmem:s9], [sflag:$0x4], $0x8000, $0x38;
	[tilespmem:$0x18C00] =	vst v63  }
0x241: {  	_ =	swait.ge [sflag:s5], $0x8000  }
0x242: {  	[sflag:s5] =	ssyncset.done $0x0  }
0x243: {  	[sflag:s5] =	ssyncadd.s32 $0xFFFF8000  }
0x244: {  	[tilespmem:s9], [sflag:$0x1] =	stream.indirect.gather [hbm4b:s4+s11], $0x80, s26, s11, $0xb8;
	[tilespmem:$0x18C00] =	vst v63  }
0x245: {  	_ = 	snop  }
0x246: {  	[tilespmem:s18], [sflag:$0x1] =	stream.indirect.gather [hbm4b:s4+s11], $0x80, s29, s11, $0xb8;
	[tilespmem:$0x18C00] =	vst v63  }
0x247: {  	_ =	swait.ge [sflag:s12], $0x4000  }
0x248: {  	[sflag:s12] =	ssyncset.done $0x0  }
0x249: {  	[sflag:s12] =	ssyncadd.s32 $0xFFFFC000  }
0x24a: {  	_ =	swait.ge [sflag:s12], $0x4000  }
0x24b: {  	[sflag:s12] =	ssyncset.done $0x0  }
0x24c: {  	s24 =	rddreg [dreg:$0x1b];
	[sflag:s12] =	ssyncadd.s32 $0xFFFFC000  }
0x24d: {  	[hbm4b:s24+s1] =	stream.linear.scatter [tilespmem:s8], [sflag:$0x4], $0x8000, $0x38;
	[tilespmem:$0x18C00] =	vst v63  }
0x24e: {  	_ =	swait.ge [sflag:s5], $0x8000  }
0x24f: {  	[sflag:s5] =	ssyncset.done $0x0  }
0x250: {  	[sflag:s5] =	ssyncadd.s32 $0xFFFF8000  }
0x251: {  	[tilespmem:s8], [sflag:$0x2] =	stream.indirect.gather [hbm4b:s3+s11], $0x80, s14, s11, $0xb8;
	[tilespmem:$0x18C00] =	vst v63  }
0x252: {  	_ = 	snop  }
0x253: {  	[tilespmem:s17], [sflag:$0x2] =	stream.indirect.gather [hbm4b:s3+s11], $0x80, s25, s11, $0xb8;
	[tilespmem:$0x18C00] =	vst v63  }
0x254: {  	_ =	swait.ge [sflag:s10], $0x4000  }
0x255: {  	[sflag:s10] =	ssyncset.done $0x0  }
0x256: {  	[sflag:s10] =	ssyncadd.s32 $0xFFFFC000  }
0x257: {  	_ =	swait.ge [sflag:s10], $0x4000  }
0x258: {  	[sflag:s10] =	ssyncset.done $0x0  }
0x259: {  	s26 =	rddreg [dreg:$0x1c];
	[sflag:s10] =	ssyncadd.s32 $0xFFFFC000  }
0x25a: {  	[hbm4b:s26+s1] =	stream.linear.scatter [tilespmem:s7], [sflag:$0x4], $0x8000, $0x38;
	[tilespmem:$0x18C00] =	vst v63  }
0x25b: {  	_ =	swait.ge [sflag:s5], $0x8000  }
0x25c: {  	[sflag:s5] =	ssyncset.done $0x0  }
0x25d: {  	[sflag:s5] =	ssyncadd.s32 $0xFFFF8000  }
0x25e: {  	[tilespmem:s7], [sflag:$0x3] =	stream.indirect.gather [hbm4b:s3+s11], $0x80, s22, s11, $0xb8;
	[tilespmem:$0x18C00] =	vst v63  }
0x25f: {  	s28 =	simm.s32 $0xB80  }
0x260: {  	[tilespmem:s16], [sflag:$0x3] =	stream.indirect.gather [hbm4b:s3+s11], $0x80, s28, s11, $0xb8;
	[tilespmem:$0x18C00] =	vst v63  }
0x261: {  	_ =	swait.ge [sflag:s15], $0x4000  }
0x262: {  	[sflag:s15] =	ssyncset.done $0x0  }
0x263: {  	[sflag:s15] =	ssyncadd.s32 $0xFFFFC000  }
0x264: {  	_ =	swait.ge [sflag:s15], $0x4000  }
0x265: {  	[sflag:s15] =	ssyncset.done $0x0  }
0x266: {  	s29 =	rddreg [dreg:$0x1d];
	[sflag:s15] =	ssyncadd.s32 $0xFFFFC000  }
0x267: {  	[hbm4b:s29+s1] =	stream.linear.scatter [tilespmem:s9], [sflag:$0x4], $0x8000, $0x38;
	[tilespmem:$0x18C00] =	vst v63  }
0x268: {  	_ =	swait.ge [sflag:s5], $0x8000  }
0x269: {  	[sflag:s5] =	ssyncset.done $0x0  }
0x26a: {  	[sflag:s5] =	ssyncadd.s32 $0xFFFF8000  }
0x26b: {  	_ =	swait.ge [sflag:s12], $0x4000  }
0x26c: {  	[sflag:s12] =	ssyncset.done $0x0  }
0x26d: {  	[sflag:s12] =	ssyncadd.s32 $0xFFFFC000  }
0x26e: {  	_ =	swait.ge [sflag:s12], $0x4000  }
0x26f: {  	[sflag:s12] =	ssyncset.done $0x0  }
0x270: {  	s30 =	rddreg [dreg:$0x1e];
	[sflag:s12] =	ssyncadd.s32 $0xFFFFC000  }
0x271: {  	[hbm4b:s30+s1] =	stream.linear.scatter [tilespmem:s8], [sflag:$0x4], $0x8000, $0x38;
	[tilespmem:$0x18C00] =	vst v63  }
0x272: {  	_ =	swait.ge [sflag:s5], $0x8000  }
0x273: {  	[sflag:s5] =	ssyncset.done $0x0  }
0x274: {  	[sflag:s5] =	ssyncadd.s32 $0xFFFF8000  }
0x275: {  	_ =	swait.ge [sflag:s10], $0x4000  }
0x276: {  	[sflag:s10] =	ssyncset.done $0x0  }
0x277: {  	[sflag:s10] =	ssyncadd.s32 $0xFFFFC000  }
0x278: {  	_ =	swait.ge [sflag:s10], $0x4000  }
0x279: {  	[sflag:s10] =	ssyncset.done $0x0  }
0x27a: {  	s31 =	rddreg [dreg:$0x1f];
	[sflag:s10] =	ssyncadd.s32 $0xFFFFC000  }
0x27b: {  	[hbm4b:s31+s1] =	stream.linear.scatter [tilespmem:s7], [sflag:$0x4], $0x8000, $0x38;
	[tilespmem:$0x18C00] =	vst v63  }
0x27c: {  	_ =	swait.ge [sflag:s5], $0x8000  }
0x27d: {  	[sflag:s5] =	ssyncset.done $0x0  }
0x27e: {  	[sflag:s5] =	ssyncadd.s32 $0xFFFF8000  }
0x27f: {  	_ =	sfence.sel $0x180000  }
0x280: {  	[bflag:$0x0] =	sbarrier.arrive $0xFFFF  }
0x281: {  	_ =	strace $0x90000047  }
0x282: {  	[bflag:$0x2] =	sbarrier.arrive $0xFFFF  }
0x283: {  	s0 =	sld [smem:$0x7F2];
	_ =	sdelay $0x1  }
0x284: {  	p0 =	sne.s32 s21, $0x0  }
0x285: {  	s0 =	sadd.s32 @!p0 $0x100000, s0  }
0x286: {  	[sflag:s0] =	ssyncadd.tile.s32 @!p0 $0x1;
	_ =	shalt  }
.LBB3_1:
.Ltmp3:
0x287: {  	(pc) =	sbr.rel .LBB3_6-.Ltmp3, $3  }
0x288: {  	_ =	sdelay $0x1  }
0x289: {  	s23 =	simm.s32 $0x880;
	s29 =	simm.s32 $0x980  }
0x28a: {  	s26 =	simm.s32 $0x900;
	s25 =	simm.s32 $0xA80;
	s22 =	simm.s32 $0xB00  }
.LBB3_3:
.Ltmp4:
0x28b: {  	(pc) =	sbr.rel .LBB3_6-.Ltmp4, $3  }
0x28c: {  	_ =	sdelay $0x1  }
0x28d: {  	s23 =	simm.s32 $0x880;
	s29 =	simm.s32 $0x980;
	s26 =	simm.s32 $0x900  }
0x28e: {  	s25 =	simm.s32 $0xA80;
	s22 =	simm.s32 $0xB00;
	s21 =	stileid.u32  }
.Lfunc_end3:
_tile_overlayer_lowered:
.L_overlay_start_3:
0x28f: {  	(tag) =	ssettag $0x3  }
0x290: {  	s0 =	rddreg [dreg:$0x0];
	s2 =	stileid.u32  }
0x291: {  	s1 =	rddreg [dreg:$0x1];
	p0 =	sne.s32 s2, $0x0  }
0x292: {  	s3 =	rddreg [dreg:$0x2];
	[bflag:$0x3] =	sbarrier.arrive $0xFFFF;
	s2 =	simm.s32 @!p0 $0x1C04  }
0x293: {  	[timem:s3], [sflag:s2] =	dma.local @!p0 [hbm:s0], s1  }
0x294: {  	s0 =	simm.s32 @!p0 $0x4  }
0x295: {  	_ =	swait.ge @!p0 [sflag:s0], s1  }
0x296: {  	s1 =	ssub.s32 @!p0 $0x0, s1;
	[sflag:s0] =	ssyncset.done @!p0 $0x0  }
0x297: {  	[sflag:s0] =	ssyncadd.s32 @!p0 s1  }
0x298: {  	[bflag:$0x3] =	sbarrier.arrive $0xFFFF  }
0x299: {  	_ =	shalt  }

</sc_bundles>
